<compile_context>
chip_gen: v7x
topology: tpu7x:2x2x1
jax: 0.10.2.dev20260603
libtpu: 0.0.44.dev20260713+nightly
codegen_flags: <defaults>
</compile_context>

<pallas_src>
import functools

import jax
import jax.numpy as jnp
from jax import lax
from jax.experimental import pallas as pl
from jax.experimental.pallas import tpu as pltpu
from jax.experimental.pallas import tpu_sc as plsc

N = 10000
E = 320000
F = 128

NC = 2
NS = 16
NW = NC * NS
ET = E // NW
CH = 80
ONES = 80
NCHUNK = ET // CH
RT = 632
RTL = N - 15 * RT
CT = 2000


def _sc_agg_body(with_cnt, feat, eidx, agg_out, cnt_out,
                 agg_sh, cnt_sh, sidx_all, didx0, didx1,
                 rows0, rows1, ones, zv,
                 g0, g1, s0, s1, c0, c1, d0, d1):
    c = lax.axis_index("c")
    s = lax.axis_index("s")
    ebase = (c * NS + s) * ET
    didx = (didx0, didx1)
    rows = (rows0, rows1)
    gsem = (g0, g1)
    ssem = (s0, s1)
    csem = (c0, c1)
    dsem = (d0, d1)

    def _zrow(i, carry):
        for j in range(F // 16):
            rows0[i, pl.ds(j * 16, 16)] = jnp.zeros((16,), jnp.float32)
        return carry

    lax.fori_loop(0, CH, _zrow, 0)
    ZR = N // NS
    for k in range(ZR // CH):
        pltpu.sync_copy(rows0, agg_sh.at[pl.ds(s * ZR + k * CH, CH)])
    if ZR % CH:
        pltpu.sync_copy(rows0.at[pl.ds(0, ZR % CH)],
                        agg_sh.at[pl.ds(s * ZR + (ZR // CH) * CH, ZR % CH)])
    if with_cnt:
        def _zcnt(i, carry):
            zv[pl.ds(i * 16, 16)] = jnp.zeros((16,), jnp.float32)
            return carry

        lax.fori_loop(0, CT // 16, _zcnt, 0)

        @pl.when(s < N // CT)
        def _():
            pltpu.sync_copy(zv, cnt_sh.at[pl.ds(s * CT, CT)])
        for i in range(ONES // 16):
            ones[pl.ds(i * 16, 16)] = jnp.ones((16,), jnp.float32)
    plsc.subcore_barrier()

    def issue_didx(i, b):
        pltpu.async_copy(eidx.at[pl.ds(E + ebase + i * CH, CH)],
                         didx[b], dsem[b])

    def wait_didx(b):
        pltpu.make_async_copy(eidx.at[pl.ds(0, CH)], didx[b], dsem[b]).wait()

    def issue_gather(i, b):
        pltpu.async_copy(feat.at[sidx_all.at[pl.ds(i * CH, CH)]],
                         rows[b], gsem[b])

    def wait_gather(b):
        pltpu.make_async_copy(feat.at[sidx_all.at[pl.ds(0, CH)]],
                              rows[b], gsem[b]).wait()

    def issue_scatter(b):
        pltpu.async_copy(rows[b], agg_sh.at[didx[b]], ssem[b], add=True)

    def wait_scatter(b):
        pltpu.make_async_copy(rows[b], agg_sh.at[didx[b]], ssem[b]).wait()

    def issue_cnt(b):
        if with_cnt:
            pltpu.async_copy(ones, cnt_sh.at[didx[b]], csem[b], add=True)

    def wait_cnt(b):
        if with_cnt:
            pltpu.make_async_copy(ones, cnt_sh.at[didx[b]], csem[b]).wait()

    pltpu.sync_copy(eidx.at[pl.ds(ebase, ET)], sidx_all)
    issue_didx(0, 0)
    issue_gather(0, 0)
    wait_gather(0)
    wait_didx(0)
    issue_scatter(0)
    issue_cnt(0)
    issue_didx(1, 1)
    issue_gather(1, 1)

    def step(i, b, do_next):
        nb = 1 - b
        wait_gather(b)
        wait_didx(b)
        issue_scatter(b)
        issue_cnt(b)
        wait_scatter(nb)
        wait_cnt(nb)
        if do_next:
            issue_didx(i + 1, nb)
            issue_gather(i + 1, nb)

    def pair(p, carry):
        i0 = 2 * p + 1
        step(i0, 1, True)
        step(i0 + 1, 0, True)
        return carry

    lax.fori_loop(0, (NCHUNK - 3) // 2, pair, 0)
    step(NCHUNK - 2, (NCHUNK - 2) % 2, True)
    step(NCHUNK - 1, (NCHUNK - 1) % 2, False)
    wait_scatter((NCHUNK - 1) % 2)
    wait_cnt((NCHUNK - 1) % 2)
    plsc.subcore_barrier()

    @pl.when(s < NS - 1)
    def _():
        pltpu.sync_copy(agg_sh.at[pl.ds(s * RT, RT)],
                        agg_out.at[c, pl.ds(s * RT, RT)])

    @pl.when(s == NS - 1)
    def _():
        pltpu.sync_copy(agg_sh.at[pl.ds(s * RT, RTL)],
                        agg_out.at[c, pl.ds(s * RT, RTL)])
    if with_cnt:
        @pl.when(s < N // CT)
        def _():
            pltpu.sync_copy(cnt_sh.at[pl.ds(s * CT, CT)], zv)
            pltpu.sync_copy(zv, cnt_out.at[pl.ds(c * N + s * CT, CT)])


def _make_sc_agg(with_cnt):
    mesh = plsc.VectorSubcoreMesh(core_axis_name="c", subcore_axis_name="s",
                                  num_cores=NC, num_subcores=NS)
    return pl.kernel(
        functools.partial(_sc_agg_body, with_cnt),
        out_type=(
            jax.ShapeDtypeStruct((NC, N, F), jnp.float32),
            jax.ShapeDtypeStruct((NC * N,), jnp.float32),
        ),
        mesh=mesh,
        scratch_types=[
            pltpu.VMEM_SHARED((N, F), jnp.float32),
            pltpu.VMEM_SHARED((N,), jnp.float32),
            pltpu.VMEM((ET,), jnp.int32),
            pltpu.VMEM((CH,), jnp.int32),
            pltpu.VMEM((CH,), jnp.int32),
            pltpu.VMEM((CH, F), jnp.float32),
            pltpu.VMEM((CH, F), jnp.float32),
            pltpu.VMEM((ONES,), jnp.float32),
            pltpu.VMEM((CT,), jnp.float32),
            pltpu.SemaphoreType.DMA,
            pltpu.SemaphoreType.DMA,
            pltpu.SemaphoreType.DMA,
            pltpu.SemaphoreType.DMA,
            pltpu.SemaphoreType.DMA,
            pltpu.SemaphoreType.DMA,
            pltpu.SemaphoreType.DMA,
            pltpu.SemaphoreType.DMA,
        ],
        name="sage_sc_agg" + ("_cnt" if with_cnt else ""),
    )


_sc_agg_cnt = _make_sc_agg(True)
_sc_agg = _make_sc_agg(False)

BR = 2000


def _tc_self_body(x_ref, w_ref, o_ref):
    o_ref[...] = jnp.dot(x_ref[...], w_ref[...],
                         preferred_element_type=jnp.float32)


def _tc1_body(agg_ref, cnt_ref, self_ref, wl_ref, bl_ref,
              gm_ref, bt_ref, rm_ref, rv_ref, o_ref):
    agg = agg_ref[0] + agg_ref[1]
    cnt = cnt_ref[:, 0:1] + cnt_ref[:, 1:2]
    rinv = 1.0 / jnp.maximum(cnt, 1.0)
    z = (jnp.dot(agg * rinv, wl_ref[...],
                 preferred_element_type=jnp.float32)
         + self_ref[...] + bl_ref[...])
    sc = gm_ref[...] * lax.rsqrt(rv_ref[...] + 1e-5)
    sh = bt_ref[...] - rm_ref[...] * sc
    o_ref[...] = jnp.maximum(z * sc + sh, 0.0)


def _tc2_body(agg_ref, cnt_ref, self_ref, wl_ref, bl_ref, o_ref):
    agg = agg_ref[0] + agg_ref[1]
    cnt = cnt_ref[:, 0:1] + cnt_ref[:, 1:2]
    rinv = 1.0 / jnp.maximum(cnt, 1.0)
    o_ref[...] = (jnp.dot(agg * rinv, wl_ref[...],
                          preferred_element_type=jnp.float32)
                  + self_ref[...] + bl_ref[...])


_row_spec = pl.BlockSpec((BR, F), lambda i: (i, 0))
_agg_spec = pl.BlockSpec((NC, BR, F), lambda i: (0, i, 0))
_cnt_spec = pl.BlockSpec((BR, NC), lambda i: (i, 0))
_mat_spec = pl.BlockSpec((F, F), lambda i: (0, 0))
_vec_spec = pl.BlockSpec((1, F), lambda i: (0, 0))


def _tc_self(x, w):
    return pl.pallas_call(
        _tc_self_body,
        grid=(N // BR,),
        in_specs=[_row_spec, _mat_spec],
        out_specs=_row_spec,
        out_shape=jax.ShapeDtypeStruct((N, F), jnp.float32),
    )(x, w)


def _tc1(agg, cnt, self1, wl, bl, gm, bt, rm, rv):
    return pl.pallas_call(
        _tc1_body,
        grid=(N // BR,),
        in_specs=[_agg_spec, _cnt_spec, _row_spec, _mat_spec, _vec_spec,
                  _vec_spec, _vec_spec, _vec_spec, _vec_spec],
        out_specs=_row_spec,
        out_shape=jax.ShapeDtypeStruct((N, F), jnp.float32),
    )(agg, cnt, self1, wl, bl, gm, bt, rm, rv)


def _tc2(agg, cnt, self2, wl, bl):
    return pl.pallas_call(
        _tc2_body,
        grid=(N // BR,),
        in_specs=[_agg_spec, _cnt_spec, _row_spec, _mat_spec, _vec_spec],
        out_specs=_row_spec,
        out_shape=jax.ShapeDtypeStruct((N, F), jnp.float32),
    )(agg, cnt, self2, wl, bl)


def kernel(x, ei, W1l, b1l, W1r, gamma, beta, rm, rv, W2l, b2l, W2r):
    eidx = ei.reshape(2 * E)

    agg1, cnt = _sc_agg_cnt(x, eidx)
    self1 = _tc_self(x, W1r)
    cnt2 = cnt.reshape(NC, N).T
    h = _tc1(agg1, cnt2, self1, W1l, b1l.reshape(1, F),
             gamma.reshape(1, F), beta.reshape(1, F),
             rm.reshape(1, F), rv.reshape(1, F))

    agg2, _ = _sc_agg(h, eidx)
    self2 = _tc_self(h, W2r)
    out = _tc2(agg2, cnt2, self2, W2l, b2l.reshape(1, F))
    return out

# --- scband reference (transcript-rebuilt; emitter-appended) ---
"""Pipeline reference for scband-sageexpert-2310692405502 (READ-ONLY COPY).

The authoritative reference and input builder live on the scoring server;
editing this copy changes nothing except your own understanding.
"""

import jax, jax.numpy as jnp
import numpy as np

N = 10000
E = 320000
IN = 128
HID = 128
OUT = 128


def setup_inputs(seed: int = 0) -> dict:
    key = jax.random.key(seed)
    ks = jax.random.split(key, 12)
    x = jax.random.normal(ks[0], (N, IN), dtype=jnp.float32)
    ei = jax.random.randint(ks[1], (2, E), 0, N, dtype=jnp.int32)
    s_in = 1.0 / np.sqrt(IN)
    s_hid = 1.0 / np.sqrt(HID)
    # SAGEConv layer 1: lin_l (aggregated, with bias), lin_r (self, no bias)
    W1l = jax.random.normal(ks[2], (IN, HID), dtype=jnp.float32) * s_in
    b1l = jnp.zeros((HID,), dtype=jnp.float32)
    W1r = jax.random.normal(ks[3], (IN, HID), dtype=jnp.float32) * s_in
    # BatchNorm1d params (eval mode: running stats)
    gamma = jnp.ones((HID,), dtype=jnp.float32)
    beta = jnp.zeros((HID,), dtype=jnp.float32)
    rm = jnp.zeros((HID,), dtype=jnp.float32)
    rv = jnp.ones((HID,), dtype=jnp.float32)
    # SAGEConv layer 2
    W2l = jax.random.normal(ks[4], (HID, OUT), dtype=jnp.float32) * s_hid
    b2l = jnp.zeros((OUT,), dtype=jnp.float32)
    W2r = jax.random.normal(ks[5], (HID, OUT), dtype=jnp.float32) * s_hid
    return {"x": x, "ei": ei, "W1l": W1l, "b1l": b1l, "W1r": W1r,
            "gamma": gamma, "beta": beta, "rm": rm, "rv": rv,
            "W2l": W2l, "b2l": b2l, "W2r": W2r}


def _sage_conv(x, ei, Wl, bl, Wr):
    src = ei[0]
    dst = ei[1]
    msgs = jnp.take(x, src, axis=0)
    agg = jax.ops.segment_sum(msgs, dst, num_segments=N)
    cnt = jax.ops.segment_sum(jnp.ones((ei.shape[1],), dtype=jnp.float32), dst, num_segments=N)
    mean = agg / jnp.clip(cnt, 1.0)[:, None]
    return mean @ Wl + bl + x @ Wr


def _batchnorm_eval(h, gamma, beta, rm, rv, eps=1e-5):
    return (h - rm) / jnp.sqrt(rv + eps) * gamma + beta


def reference(x, ei, W1l, b1l, W1r, gamma, beta, rm, rv, W2l, b2l, W2r):
    h = _sage_conv(x, ei, W1l, b1l, W1r)
    h = jax.nn.relu(_batchnorm_eval(h, gamma, beta, rm, rv))
    # dropout: identity in eval mode
    out = _sage_conv(h, ei, W2l, b2l, W2r)
    return out

if __name__ == "__main__":
    import jax
    _d = setup_inputs()
    print(jax.jit(kernel)(*tuple(_d.values())))

</pallas_src>

<mosaic_0001>
#map = affine_map<(d0, d1) -> (0, 0)>
#map1 = affine_map<(d0, d1) -> (0)>
#map2 = affine_map<(d0, d1) -> (0, 0, 0)>
module attributes {stable_mosaic.version = 14 : i64} {
  func.func @sage_sc_agg_cnt(%arg0: i32, %arg1: i32, %arg2: memref<10000x128xf32, #tpu.memory_space<hbm>>, %arg3: memref<640000xi32, #tpu.memory_space<hbm>>, %arg4: memref<2x10000x128xf32, #tpu.memory_space<hbm>>, %arg5: memref<20000xf32, #tpu.memory_space<hbm>>, %arg6: memref<10000x128xf32, #tpu.memory_space<vmem_shared>>, %arg7: memref<10000xf32, #tpu.memory_space<vmem_shared>>, %arg8: memref<10000xi32, #tpu.memory_space<vmem>>, %arg9: memref<80xi32, #tpu.memory_space<vmem>>, %arg10: memref<80xi32, #tpu.memory_space<vmem>>, %arg11: memref<80x128xf32, #tpu.memory_space<vmem>>, %arg12: memref<80x128xf32, #tpu.memory_space<vmem>>, %arg13: memref<80xf32, #tpu.memory_space<vmem>>, %arg14: memref<2000xf32, #tpu.memory_space<vmem>>, %arg15: memref<!tpu.dma_semaphore, #tpu.memory_space<semaphore_mem>>, %arg16: memref<!tpu.dma_semaphore, #tpu.memory_space<semaphore_mem>>, %arg17: memref<!tpu.dma_semaphore, #tpu.memory_space<semaphore_mem>>, %arg18: memref<!tpu.dma_semaphore, #tpu.memory_space<semaphore_mem>>, %arg19: memref<!tpu.dma_semaphore, #tpu.memory_space<semaphore_mem>>, %arg20: memref<!tpu.dma_semaphore, #tpu.memory_space<semaphore_mem>>, %arg21: memref<!tpu.dma_semaphore, #tpu.memory_space<semaphore_mem>>, %arg22: memref<!tpu.dma_semaphore, #tpu.memory_space<semaphore_mem>>) attributes {dimension_semantics = [#tpu.dimension_semantics<core_parallel>, #tpu.dimension_semantics<subcore_parallel>], iteration_bounds = array<i64: 2, 16>, scalar_prefetch = 0 : i64, scratch_operands = 17 : i64, tpu.core_type = #tpu.core_type<sc_vector_subcore>, window_params = [{transform_indices = #map}, {transform_indices = #map1}, {transform_indices = #map2}, {transform_indices = #map1}]} {
    %mul3A = arith.constant 16 : i32
    %mul3A_0 = arith.muli %arg0, %mul3A : i32
    %add3A = arith.addi %mul3A_0, %arg1 : i32
    %mul3A_1 = arith.constant 10000 : i32
    %mul3A_2 = arith.muli %add3A, %mul3A_1 : i32
    %scan3A = arith.constant 0 : i32
    %scan3A_3 = arith.constant 0 : i32
    %scan3A_4 = arith.constant 80 : i32
    %scan3A_5 = arith.addi %scan3A_3, %scan3A_4 : i32
    %scan3A_6 = arith.constant 1 : i32
    scf.for %scan3A_185 = %scan3A_3 to %scan3A_5 step %scan3A_6  : i32 {
      %broadcast_in_dim3A_186 = arith.constant 0.000000e+00 : f32
      %broadcast_in_dim3A_187 = vector.broadcast %broadcast_in_dim3A_186 : f32 to vector<16xf32>
      %swap3A_188 = arith.index_cast %scan3A_185 : i32 to index
      %swap3A_189 = arith.constant 0 : index
      %swap3A_190 = tpu.vector_load %arg11[%swap3A_188, %swap3A_189] {strides = array<i32>} : memref<80x128xf32, #tpu.memory_space<vmem>>, vector<1x16xf32>,
      %swap3A_191 = vector.shape_cast %swap3A_190 : vector<1x16xf32> to vector<16xf32>
      %swap3A_192 = vector.shape_cast %broadcast_in_dim3A_187 : vector<16xf32> to vector<1x16xf32>
      tpu.vector_store %arg11[%swap3A_188, %swap3A_189], %swap3A_192 {strides = array<i32>} : memref<80x128xf32, #tpu.memory_space<vmem>>, vector<1x16xf32>,
      %broadcast_in_dim3A_193 = arith.constant 0.000000e+00 : f32
      %broadcast_in_dim3A_194 = vector.broadcast %broadcast_in_dim3A_193 : f32 to vector<16xf32>
      %swap3A_195 = arith.index_cast %scan3A_185 : i32 to index
      %swap3A_196 = arith.constant 16 : index
      %swap3A_197 = tpu.vector_load %arg11[%swap3A_195, %swap3A_196] {strides = array<i32>} : memref<80x128xf32, #tpu.memory_space<vmem>>, vector<1x16xf32>,
      %swap3A_198 = vector.shape_cast %swap3A_197 : vector<1x16xf32> to vector<16xf32>
      %swap3A_199 = vector.shape_cast %broadcast_in_dim3A_194 : vector<16xf32> to vector<1x16xf32>
      tpu.vector_store %arg11[%swap3A_195, %swap3A_196], %swap3A_199 {strides = array<i32>} : memref<80x128xf32, #tpu.memory_space<vmem>>, vector<1x16xf32>,
      %broadcast_in_dim3A_200 = arith.constant 0.000000e+00 : f32
      %broadcast_in_dim3A_201 = vector.broadcast %broadcast_in_dim3A_200 : f32 to vector<16xf32>
      %swap3A_202 = arith.index_cast %scan3A_185 : i32 to index
      %swap3A_203 = arith.constant 32 : index
      %swap3A_204 = tpu.vector_load %arg11[%swap3A_202, %swap3A_203] {strides = array<i32>} : memref<80x128xf32, #tpu.memory_space<vmem>>, vector<1x16xf32>,
      %swap3A_205 = vector.shape_cast %swap3A_204 : vector<1x16xf32> to vector<16xf32>
      %swap3A_206 = vector.shape_cast %broadcast_in_dim3A_201 : vector<16xf32> to vector<1x16xf32>
      tpu.vector_store %arg11[%swap3A_202, %swap3A_203], %swap3A_206 {strides = array<i32>} : memref<80x128xf32, #tpu.memory_space<vmem>>, vector<1x16xf32>,
      %broadcast_in_dim3A_207 = arith.constant 0.000000e+00 : f32
      %broadcast_in_dim3A_208 = vector.broadcast %broadcast_in_dim3A_207 : f32 to vector<16xf32>
      %swap3A_209 = arith.index_cast %scan3A_185 : i32 to index
      %swap3A_210 = arith.constant 48 : index
      %swap3A_211 = tpu.vector_load %arg11[%swap3A_209, %swap3A_210] {strides = array<i32>} : memref<80x128xf32, #tpu.memory_space<vmem>>, vector<1x16xf32>,
      %swap3A_212 = vector.shape_cast %swap3A_211 : vector<1x16xf32> to vector<16xf32>
      %swap3A_213 = vector.shape_cast %broadcast_in_dim3A_208 : vector<16xf32> to vector<1x16xf32>
      tpu.vector_store %arg11[%swap3A_209, %swap3A_210], %swap3A_213 {strides = array<i32>} : memref<80x128xf32, #tpu.memory_space<vmem>>, vector<1x16xf32>,
      %broadcast_in_dim3A_214 = arith.constant 0.000000e+00 : f32
      %broadcast_in_dim3A_215 = vector.broadcast %broadcast_in_dim3A_214 : f32 to vector<16xf32>
      %swap3A_216 = arith.index_cast %scan3A_185 : i32 to index
      %swap3A_217 = arith.constant 64 : index
      %swap3A_218 = tpu.vector_load %arg11[%swap3A_216, %swap3A_217] {strides = array<i32>} : memref<80x128xf32, #tpu.memory_space<vmem>>, vector<1x16xf32>,
      %swap3A_219 = vector.shape_cast %swap3A_218 : vector<1x16xf32> to vector<16xf32>
      %swap3A_220 = vector.shape_cast %broadcast_in_dim3A_215 : vector<16xf32> to vector<1x16xf32>
      tpu.vector_store %arg11[%swap3A_216, %swap3A_217], %swap3A_220 {strides = array<i32>} : memref<80x128xf32, #tpu.memory_space<vmem>>, vector<1x16xf32>,
      %broadcast_in_dim3A_221 = arith.constant 0.000000e+00 : f32
      %broadcast_in_dim3A_222 = vector.broadcast %broadcast_in_dim3A_221 : f32 to vector<16xf32>
      %swap3A_223 = arith.index_cast %scan3A_185 : i32 to index
      %swap3A_224 = arith.constant 80 : index
      %swap3A_225 = tpu.vector_load %arg11[%swap3A_223, %swap3A_224] {strides = array<i32>} : memref<80x128xf32, #tpu.memory_space<vmem>>, vector<1x16xf32>,
      %swap3A_226 = vector.shape_cast %swap3A_225 : vector<1x16xf32> to vector<16xf32>
      %swap3A_227 = vector.shape_cast %broadcast_in_dim3A_222 : vector<16xf32> to vector<1x16xf32>
      tpu.vector_store %arg11[%swap3A_223, %swap3A_224], %swap3A_227 {strides = array<i32>} : memref<80x128xf32, #tpu.memory_space<vmem>>, vector<1x16xf32>,
      %broadcast_in_dim3A_228 = arith.constant 0.000000e+00 : f32
      %broadcast_in_dim3A_229 = vector.broadcast %broadcast_in_dim3A_228 : f32 to vector<16xf32>
      %swap3A_230 = arith.index_cast %scan3A_185 : i32 to index
      %swap3A_231 = arith.constant 96 : index
      %swap3A_232 = tpu.vector_load %arg11[%swap3A_230, %swap3A_231] {strides = array<i32>} : memref<80x128xf32, #tpu.memory_space<vmem>>, vector<1x16xf32>,
      %swap3A_233 = vector.shape_cast %swap3A_232 : vector<1x16xf32> to vector<16xf32>
      %swap3A_234 = vector.shape_cast %broadcast_in_dim3A_229 : vector<16xf32> to vector<1x16xf32>
      tpu.vector_store %arg11[%swap3A_230, %swap3A_231], %swap3A_234 {strides = array<i32>} : memref<80x128xf32, #tpu.memory_space<vmem>>, vector<1x16xf32>,
      %broadcast_in_dim3A_235 = arith.constant 0.000000e+00 : f32
      %broadcast_in_dim3A_236 = vector.broadcast %broadcast_in_dim3A_235 : f32 to vector<16xf32>
      %swap3A_237 = arith.index_cast %scan3A_185 : i32 to index
      %swap3A_238 = arith.constant 112 : index
      %swap3A_239 = tpu.vector_load %arg11[%swap3A_237, %swap3A_238] {strides = array<i32>} : memref<80x128xf32, #tpu.memory_space<vmem>>, vector<1x16xf32>,
      %swap3A_240 = vector.shape_cast %swap3A_239 : vector<1x16xf32> to vector<16xf32>
      %swap3A_241 = vector.shape_cast %broadcast_in_dim3A_236 : vector<16xf32> to vector<1x16xf32>
      tpu.vector_store %arg11[%swap3A_237, %swap3A_238], %swap3A_241 {strides = array<i32>} : memref<80x128xf32, #tpu.memory_space<vmem>>, vector<1x16xf32>,
    }
    %scan3A_7 = arith.constant 80 : i32
    %mul3A_8 = arith.constant 625 : i32
    %mul3A_9 = arith.muli %arg1, %mul3A_8 : i32
    %add3A_10 = arith.constant 0 : i32
    %add3A_11 = arith.addi %mul3A_9, %add3A_10 : i32
    "tpu.region"() ({
      %run_scoped3A = tpu.sem_alloc : memref<!tpu.dma_semaphore, #tpu.memory_space<semaphore_mem>>
      %dma_start3A_185 = arith.constant 0 : i32
      %dma_start3A_186 = tpu.memref_slice %arg6[%add3A_11, %dma_start3A_185] : memref<10000x128xf32, #tpu.memory_space<vmem_shared>> -> memref<80x128xf32, #tpu.memory_space<vmem_shared>>
      %dma_start3A_187 = arith.constant 0 : i32
      %dma_start3A_188 = tpu.memref_slice %arg6[%add3A_11, %dma_start3A_187] : memref<10000x128xf32, #tpu.memory_space<vmem_shared>> -> memref<80x128xf32, #tpu.memory_space<vmem_shared>>
      tpu.enqueue_dma source(%arg11 : memref<80x128xf32, #tpu.memory_space<vmem>>) target(%dma_start3A_188 : memref<80x128xf32, #tpu.memory_space<vmem_shared>>) target_semaphore(%run_scoped3A : memref<!tpu.dma_semaphore, #tpu.memory_space<semaphore_mem>>)
      %dma_wait3A_189 = arith.constant 0 : i32
      %dma_wait3A_190 = tpu.memref_slice %arg6[%add3A_11, %dma_wait3A_189] : memref<10000x128xf32, #tpu.memory_space<vmem_shared>> -> memref<80x128xf32, #tpu.memory_space<vmem_shared>>
      %dma_wait3A_191 = arith.constant 0 : i32
      %dma_wait3A_192 = tpu.memref_slice %arg6[%add3A_11, %dma_wait3A_191] : memref<10000x128xf32, #tpu.memory_space<vmem_shared>> -> memref<80x128xf32, #tpu.memory_space<vmem_shared>>
      tpu.wait_dma2 semaphore(%run_scoped3A : memref<!tpu.dma_semaphore, #tpu.memory_space<semaphore_mem>>) src(%arg11 : memref<80x128xf32, #tpu.memory_space<vmem>>) dst(%dma_wait3A_192 : memref<80x128xf32, #tpu.memory_space<vmem_shared>>)
      tpu.yield
    }) : () -> ()
    %mul3A_12 = arith.constant 625 : i32
    %mul3A_13 = arith.muli %arg1, %mul3A_12 : i32
    %add3A_14 = arith.constant 80 : i32
    %add3A_15 = arith.addi %mul3A_13, %add3A_14 : i32
    "tpu.region"() ({
      %run_scoped3A = tpu.sem_alloc : memref<!tpu.dma_semaphore, #tpu.memory_space<semaphore_mem>>
      %dma_start3A_185 = arith.constant 0 : i32
      %dma_start3A_186 = tpu.memref_slice %arg6[%add3A_15, %dma_start3A_185] : memref<10000x128xf32, #tpu.memory_space<vmem_shared>> -> memref<80x128xf32, #tpu.memory_space<vmem_shared>>
      %dma_start3A_187 = arith.constant 0 : i32
      %dma_start3A_188 = tpu.memref_slice %arg6[%add3A_15, %dma_start3A_187] : memref<10000x128xf32, #tpu.memory_space<vmem_shared>> -> memref<80x128xf32, #tpu.memory_space<vmem_shared>>
      tpu.enqueue_dma source(%arg11 : memref<80x128xf32, #tpu.memory_space<vmem>>) target(%dma_start3A_188 : memref<80x128xf32, #tpu.memory_space<vmem_shared>>) target_semaphore(%run_scoped3A : memref<!tpu.dma_semaphore, #tpu.memory_space<semaphore_mem>>)
      %dma_wait3A_189 = arith.constant 0 : i32
      %dma_wait3A_190 = tpu.memref_slice %arg6[%add3A_15, %dma_wait3A_189] : memref<10000x128xf32, #tpu.memory_space<vmem_shared>> -> memref<80x128xf32, #tpu.memory_space<vmem_shared>>
      %dma_wait3A_191 = arith.constant 0 : i32
      %dma_wait3A_192 = tpu.memref_slice %arg6[%add3A_15, %dma_wait3A_191] : memref<10000x128xf32, #tpu.memory_space<vmem_shared>> -> memref<80x128xf32, #tpu.memory_space<vmem_shared>>
      tpu.wait_dma2 semaphore(%run_scoped3A : memref<!tpu.dma_semaphore, #tpu.memory_space<semaphore_mem>>) src(%arg11 : memref<80x128xf32, #tpu.memory_space<vmem>>) dst(%dma_wait3A_192 : memref<80x128xf32, #tpu.memory_space<vmem_shared>>)
      tpu.yield
    }) : () -> ()
    %mul3A_16 = arith.constant 625 : i32
    %mul3A_17 = arith.muli %arg1, %mul3A_16 : i32
    %add3A_18 = arith.constant 160 : i32
    %add3A_19 = arith.addi %mul3A_17, %add3A_18 : i32
    "tpu.region"() ({
      %run_scoped3A = tpu.sem_alloc : memref<!tpu.dma_semaphore, #tpu.memory_space<semaphore_mem>>
      %dma_start3A_185 = arith.constant 0 : i32
      %dma_start3A_186 = tpu.memref_slice %arg6[%add3A_19, %dma_start3A_185] : memref<10000x128xf32, #tpu.memory_space<vmem_shared>> -> memref<80x128xf32, #tpu.memory_space<vmem_shared>>
      %dma_start3A_187 = arith.constant 0 : i32
      %dma_start3A_188 = tpu.memref_slice %arg6[%add3A_19, %dma_start3A_187] : memref<10000x128xf32, #tpu.memory_space<vmem_shared>> -> memref<80x128xf32, #tpu.memory_space<vmem_shared>>
      tpu.enqueue_dma source(%arg11 : memref<80x128xf32, #tpu.memory_space<vmem>>) target(%dma_start3A_188 : memref<80x128xf32, #tpu.memory_space<vmem_shared>>) target_semaphore(%run_scoped3A : memref<!tpu.dma_semaphore, #tpu.memory_space<semaphore_mem>>)
      %dma_wait3A_189 = arith.constant 0 : i32
      %dma_wait3A_190 = tpu.memref_slice %arg6[%add3A_19, %dma_wait3A_189] : memref<10000x128xf32, #tpu.memory_space<vmem_shared>> -> memref<80x128xf32, #tpu.memory_space<vmem_shared>>
      %dma_wait3A_191 = arith.constant 0 : i32
      %dma_wait3A_192 = tpu.memref_slice %arg6[%add3A_19, %dma_wait3A_191] : memref<10000x128xf32, #tpu.memory_space<vmem_shared>> -> memref<80x128xf32, #tpu.memory_space<vmem_shared>>
      tpu.wait_dma2 semaphore(%run_scoped3A : memref<!tpu.dma_semaphore, #tpu.memory_space<semaphore_mem>>) src(%arg11 : memref<80x128xf32, #tpu.memory_space<vmem>>) dst(%dma_wait3A_192 : memref<80x128xf32, #tpu.memory_space<vmem_shared>>)
      tpu.yield
    }) : () -> ()
    %mul3A_20 = arith.constant 625 : i32
    %mul3A_21 = arith.muli %arg1, %mul3A_20 : i32
    %add3A_22 = arith.constant 240 : i32
    %add3A_23 = arith.addi %mul3A_21, %add3A_22 : i32
    "tpu.region"() ({
      %run_scoped3A = tpu.sem_alloc : memref<!tpu.dma_semaphore, #tpu.memory_space<semaphore_mem>>
      %dma_start3A_185 = arith.constant 0 : i32
      %dma_start3A_186 = tpu.memref_slice %arg6[%add3A_23, %dma_start3A_185] : memref<10000x128xf32, #tpu.memory_space<vmem_shared>> -> memref<80x128xf32, #tpu.memory_space<vmem_shared>>
      %dma_start3A_187 = arith.constant 0 : i32
      %dma_start3A_188 = tpu.memref_slice %arg6[%add3A_23, %dma_start3A_187] : memref<10000x128xf32, #tpu.memory_space<vmem_shared>> -> memref<80x128xf32, #tpu.memory_space<vmem_shared>>
      tpu.enqueue_dma source(%arg11 : memref<80x128xf32, #tpu.memory_space<vmem>>) target(%dma_start3A_188 : memref<80x128xf32, #tpu.memory_space<vmem_shared>>) target_semaphore(%run_scoped3A : memref<!tpu.dma_semaphore, #tpu.memory_space<semaphore_mem>>)
      %dma_wait3A_189 = arith.constant 0 : i32
      %dma_wait3A_190 = tpu.memref_slice %arg6[%add3A_23, %dma_wait3A_189] : memref<10000x128xf32, #tpu.memory_space<vmem_shared>> -> memref<80x128xf32, #tpu.memory_space<vmem_shared>>
      %dma_wait3A_191 = arith.constant 0 : i32
      %dma_wait3A_192 = tpu.memref_slice %arg6[%add3A_23, %dma_wait3A_191] : memref<10000x128xf32, #tpu.memory_space<vmem_shared>> -> memref<80x128xf32, #tpu.memory_space<vmem_shared>>
      tpu.wait_dma2 semaphore(%run_scoped3A : memref<!tpu.dma_semaphore, #tpu.memory_space<semaphore_mem>>) src(%arg11 : memref<80x128xf32, #tpu.memory_space<vmem>>) dst(%dma_wait3A_192 : memref<80x128xf32, #tpu.memory_space<vmem_shared>>)
      tpu.yield
    }) : () -> ()
    %mul3A_24 = arith.constant 625 : i32
    %mul3A_25 = arith.muli %arg1, %mul3A_24 : i32
    %add3A_26 = arith.constant 320 : i32
    %add3A_27 = arith.addi %mul3A_25, %add3A_26 : i32
    "tpu.region"() ({
      %run_scoped3A = tpu.sem_alloc : memref<!tpu.dma_semaphore, #tpu.memory_space<semaphore_mem>>
      %dma_start3A_185 = arith.constant 0 : i32
      %dma_start3A_186 = tpu.memref_slice %arg6[%add3A_27, %dma_start3A_185] : memref<10000x128xf32, #tpu.memory_space<vmem_shared>> -> memref<80x128xf32, #tpu.memory_space<vmem_shared>>
      %dma_start3A_187 = arith.constant 0 : i32
      %dma_start3A_188 = tpu.memref_slice %arg6[%add3A_27, %dma_start3A_187] : memref<10000x128xf32, #tpu.memory_space<vmem_shared>> -> memref<80x128xf32, #tpu.memory_space<vmem_shared>>
      tpu.enqueue_dma source(%arg11 : memref<80x128xf32, #tpu.memory_space<vmem>>) target(%dma_start3A_188 : memref<80x128xf32, #tpu.memory_space<vmem_shared>>) target_semaphore(%run_scoped3A : memref<!tpu.dma_semaphore, #tpu.memory_space<semaphore_mem>>)
      %dma_wait3A_189 = arith.constant 0 : i32
      %dma_wait3A_190 = tpu.memref_slice %arg6[%add3A_27, %dma_wait3A_189] : memref<10000x128xf32, #tpu.memory_space<vmem_shared>> -> memref<80x128xf32, #tpu.memory_space<vmem_shared>>
      %dma_wait3A_191 = arith.constant 0 : i32
      %dma_wait3A_192 = tpu.memref_slice %arg6[%add3A_27, %dma_wait3A_191] : memref<10000x128xf32, #tpu.memory_space<vmem_shared>> -> memref<80x128xf32, #tpu.memory_space<vmem_shared>>
      tpu.wait_dma2 semaphore(%run_scoped3A : memref<!tpu.dma_semaphore, #tpu.memory_space<semaphore_mem>>) src(%arg11 : memref<80x128xf32, #tpu.memory_space<vmem>>) dst(%dma_wait3A_192 : memref<80x128xf32, #tpu.memory_space<vmem_shared>>)
      tpu.yield
    }) : () -> ()
    %mul3A_28 = arith.constant 625 : i32
    %mul3A_29 = arith.muli %arg1, %mul3A_28 : i32
    %add3A_30 = arith.constant 400 : i32
    %add3A_31 = arith.addi %mul3A_29, %add3A_30 : i32
    "tpu.region"() ({
      %run_scoped3A = tpu.sem_alloc : memref<!tpu.dma_semaphore, #tpu.memory_space<semaphore_mem>>
      %dma_start3A_185 = arith.constant 0 : i32
      %dma_start3A_186 = tpu.memref_slice %arg6[%add3A_31, %dma_start3A_185] : memref<10000x128xf32, #tpu.memory_space<vmem_shared>> -> memref<80x128xf32, #tpu.memory_space<vmem_shared>>
      %dma_start3A_187 = arith.constant 0 : i32
      %dma_start3A_188 = tpu.memref_slice %arg6[%add3A_31, %dma_start3A_187] : memref<10000x128xf32, #tpu.memory_space<vmem_shared>> -> memref<80x128xf32, #tpu.memory_space<vmem_shared>>
      tpu.enqueue_dma source(%arg11 : memref<80x128xf32, #tpu.memory_space<vmem>>) target(%dma_start3A_188 : memref<80x128xf32, #tpu.memory_space<vmem_shared>>) target_semaphore(%run_scoped3A : memref<!tpu.dma_semaphore, #tpu.memory_space<semaphore_mem>>)
      %dma_wait3A_189 = arith.constant 0 : i32
      %dma_wait3A_190 = tpu.memref_slice %arg6[%add3A_31, %dma_wait3A_189] : memref<10000x128xf32, #tpu.memory_space<vmem_shared>> -> memref<80x128xf32, #tpu.memory_space<vmem_shared>>
      %dma_wait3A_191 = arith.constant 0 : i32
      %dma_wait3A_192 = tpu.memref_slice %arg6[%add3A_31, %dma_wait3A_191] : memref<10000x128xf32, #tpu.memory_space<vmem_shared>> -> memref<80x128xf32, #tpu.memory_space<vmem_shared>>
      tpu.wait_dma2 semaphore(%run_scoped3A : memref<!tpu.dma_semaphore, #tpu.memory_space<semaphore_mem>>) src(%arg11 : memref<80x128xf32, #tpu.memory_space<vmem>>) dst(%dma_wait3A_192 : memref<80x128xf32, #tpu.memory_space<vmem_shared>>)
      tpu.yield
    }) : () -> ()
    %mul3A_32 = arith.constant 625 : i32
    %mul3A_33 = arith.muli %arg1, %mul3A_32 : i32
    %add3A_34 = arith.constant 480 : i32
    %add3A_35 = arith.addi %mul3A_33, %add3A_34 : i32
    "tpu.region"() ({
      %run_scoped3A = tpu.sem_alloc : memref<!tpu.dma_semaphore, #tpu.memory_space<semaphore_mem>>
      %dma_start3A_185 = arith.constant 0 : i32
      %dma_start3A_186 = tpu.memref_slice %arg6[%add3A_35, %dma_start3A_185] : memref<10000x128xf32, #tpu.memory_space<vmem_shared>> -> memref<80x128xf32, #tpu.memory_space<vmem_shared>>
      %dma_start3A_187 = arith.constant 0 : i32
      %dma_start3A_188 = tpu.memref_slice %arg6[%add3A_35, %dma_start3A_187] : memref<10000x128xf32, #tpu.memory_space<vmem_shared>> -> memref<80x128xf32, #tpu.memory_space<vmem_shared>>
      tpu.enqueue_dma source(%arg11 : memref<80x128xf32, #tpu.memory_space<vmem>>) target(%dma_start3A_188 : memref<80x128xf32, #tpu.memory_space<vmem_shared>>) target_semaphore(%run_scoped3A : memref<!tpu.dma_semaphore, #tpu.memory_space<semaphore_mem>>)
      %dma_wait3A_189 = arith.constant 0 : i32
      %dma_wait3A_190 = tpu.memref_slice %arg6[%add3A_35, %dma_wait3A_189] : memref<10000x128xf32, #tpu.memory_space<vmem_shared>> -> memref<80x128xf32, #tpu.memory_space<vmem_shared>>
      %dma_wait3A_191 = arith.constant 0 : i32
      %dma_wait3A_192 = tpu.memref_slice %arg6[%add3A_35, %dma_wait3A_191] : memref<10000x128xf32, #tpu.memory_space<vmem_shared>> -> memref<80x128xf32, #tpu.memory_space<vmem_shared>>
      tpu.wait_dma2 semaphore(%run_scoped3A : memref<!tpu.dma_semaphore, #tpu.memory_space<semaphore_mem>>) src(%arg11 : memref<80x128xf32, #tpu.memory_space<vmem>>) dst(%dma_wait3A_192 : memref<80x128xf32, #tpu.memory_space<vmem_shared>>)
      tpu.yield
    }) : () -> ()
    %mul3A_36 = arith.constant 625 : i32
    %mul3A_37 = arith.muli %arg1, %mul3A_36 : i32
    %add3A_38 = arith.constant 560 : i32
    %add3A_39 = arith.addi %mul3A_37, %add3A_38 : i32
    "tpu.region"() ({
      %run_scoped3A = tpu.sem_alloc : memref<!tpu.dma_semaphore, #tpu.memory_space<semaphore_mem>>
      %dma_start3A_185 = arith.constant 0 : i32
      %dma_start3A_186 = arith.constant 0 : i32
      %dma_start3A_187 = tpu.memref_slice %arg11[%dma_start3A_185, %dma_start3A_186] : memref<80x128xf32, #tpu.memory_space<vmem>> -> memref<65x128xf32, #tpu.memory_space<vmem>>
      %dma_start3A_188 = arith.constant 0 : i32
      %dma_start3A_189 = tpu.memref_slice %arg6[%add3A_39, %dma_start3A_188] : memref<10000x128xf32, #tpu.memory_space<vmem_shared>> -> memref<65x128xf32, #tpu.memory_space<vmem_shared>>
      %dma_start3A_190 = arith.constant 0 : i32
      %dma_start3A_191 = tpu.memref_slice %arg6[%add3A_39, %dma_start3A_190] : memref<10000x128xf32, #tpu.memory_space<vmem_shared>> -> memref<65x128xf32, #tpu.memory_space<vmem_shared>>
      %dma_start3A_192 = arith.constant 0 : i32
      %dma_start3A_193 = arith.constant 0 : i32
      %dma_start3A_194 = tpu.memref_slice %arg11[%dma_start3A_192, %dma_start3A_193] : memref<80x128xf32, #tpu.memory_space<vmem>> -> memref<65x128xf32, #tpu.memory_space<vmem>>
      tpu.enqueue_dma source(%dma_start3A_194 : memref<65x128xf32, #tpu.memory_space<vmem>>) target(%dma_start3A_191 : memref<65x128xf32, #tpu.memory_space<vmem_shared>>) target_semaphore(%run_scoped3A : memref<!tpu.dma_semaphore, #tpu.memory_space<semaphore_mem>>)
      %dma_wait3A_195 = arith.constant 0 : i32
      %dma_wait3A_196 = arith.constant 0 : i32
      %dma_wait3A_197 = tpu.memref_slice %arg11[%dma_wait3A_195, %dma_wait3A_196] : memref<80x128xf32, #tpu.memory_space<vmem>> -> memref<65x128xf32, #tpu.memory_space<vmem>>
      %dma_wait3A_198 = arith.constant 0 : i32
      %dma_wait3A_199 = tpu.memref_slice %arg6[%add3A_39, %dma_wait3A_198] : memref<10000x128xf32, #tpu.memory_space<vmem_shared>> -> memref<65x128xf32, #tpu.memory_space<vmem_shared>>
      %dma_wait3A_200 = arith.constant 0 : i32
      %dma_wait3A_201 = tpu.memref_slice %arg6[%add3A_39, %dma_wait3A_200] : memref<10000x128xf32, #tpu.memory_space<vmem_shared>> -> memref<65x128xf32, #tpu.memory_space<vmem_shared>>
      %dma_wait3A_202 = arith.constant 0 : i32
      %dma_wait3A_203 = arith.constant 0 : i32
      %dma_wait3A_204 = tpu.memref_slice %arg11[%dma_wait3A_202, %dma_wait3A_203] : memref<80x128xf32, #tpu.memory_space<vmem>> -> memref<65x128xf32, #tpu.memory_space<vmem>>
      tpu.wait_dma2 semaphore(%run_scoped3A : memref<!tpu.dma_semaphore, #tpu.memory_space<semaphore_mem>>) src(%dma_wait3A_204 : memref<65x128xf32, #tpu.memory_space<vmem>>) dst(%dma_wait3A_201 : memref<65x128xf32, #tpu.memory_space<vmem_shared>>)
      tpu.yield
    }) : () -> ()
    %scan3A_40 = arith.constant 0 : i32
    %scan3A_41 = arith.constant 0 : i32
    %scan3A_42 = arith.constant 125 : i32
    %scan3A_43 = arith.addi %scan3A_41, %scan3A_42 : i32
    %scan3A_44 = arith.constant 1 : i32
    scf.for %scan3A_185 = %scan3A_41 to %scan3A_43 step %scan3A_44  : i32 {
      %broadcast_in_dim3A_186 = arith.constant 0.000000e+00 : f32
      %broadcast_in_dim3A_187 = vector.broadcast %broadcast_in_dim3A_186 : f32 to vector<16xf32>
      %mul3A_188 = arith.constant 16 : i32
      %mul3A_189 = arith.muli %scan3A_185, %mul3A_188 : i32
      %swap3A_190 = arith.index_cast %mul3A_189 : i32 to index
      %swap3A_191 = tpu.vector_load %arg14[%swap3A_190] {strides = array<i32>} : memref<2000xf32, #tpu.memory_space<vmem>>, vector<16xf32>,
      %swap3A_192 = vector.shape_cast %swap3A_191 : vector<16xf32> to vector<16xf32>
      %swap3A_193 = vector.shape_cast %broadcast_in_dim3A_187 : vector<16xf32> to vector<16xf32>
      tpu.vector_store %arg14[%swap3A_190], %swap3A_193 {strides = array<i32>} : memref<2000xf32, #tpu.memory_space<vmem>>, vector<16xf32>,
    }
    %scan3A_45 = arith.constant 125 : i32
    %lt3A = arith.constant 5 : i32
    %lt3A_46 = arith.cmpi slt, %arg1, %lt3A : i32
    %convert_element_type3A = arith.extui %lt3A_46 : i1 to i32
    %cond3A = arith.constant 0 : i32
    %cond3A_47 = arith.cmpi ne, %convert_element_type3A, %cond3A : i32
    scf.if %cond3A_47 {
      %mul3A_185 = arith.constant 2000 : i32
      %mul3A_186 = arith.muli %arg1, %mul3A_185 : i32
      "tpu.region"() ({
        %run_scoped3A = tpu.sem_alloc : memref<!tpu.dma_semaphore, #tpu.memory_space<semaphore_mem>>
        %dma_start3A_187 = tpu.memref_slice %arg7[%mul3A_186] : memref<10000xf32, #tpu.memory_space<vmem_shared>> -> memref<2000xf32, #tpu.memory_space<vmem_shared>>
        %dma_start3A_188 = tpu.memref_slice %arg7[%mul3A_186] : memref<10000xf32, #tpu.memory_space<vmem_shared>> -> memref<2000xf32, #tpu.memory_space<vmem_shared>>
        tpu.enqueue_dma source(%arg14 : memref<2000xf32, #tpu.memory_space<vmem>>) target(%dma_start3A_188 : memref<2000xf32, #tpu.memory_space<vmem_shared>>) target_semaphore(%run_scoped3A : memref<!tpu.dma_semaphore, #tpu.memory_space<semaphore_mem>>)
        %dma_wait3A_189 = tpu.memref_slice %arg7[%mul3A_186] : memref<10000xf32, #tpu.memory_space<vmem_shared>> -> memref<2000xf32, #tpu.memory_space<vmem_shared>>
        %dma_wait3A_190 = tpu.memref_slice %arg7[%mul3A_186] : memref<10000xf32, #tpu.memory_space<vmem_shared>> -> memref<2000xf32, #tpu.memory_space<vmem_shared>>
        tpu.wait_dma2 semaphore(%run_scoped3A : memref<!tpu.dma_semaphore, #tpu.memory_space<semaphore_mem>>) src(%arg14 : memref<2000xf32, #tpu.memory_space<vmem>>) dst(%dma_wait3A_190 : memref<2000xf32, #tpu.memory_space<vmem_shared>>)
        tpu.yield
      }) : () -> ()
    } else {
    }
    %broadcast_in_dim3A = arith.constant 1.000000e+00 : f32
    %broadcast_in_dim3A_48 = vector.broadcast %broadcast_in_dim3A : f32 to vector<16xf32>
    %swap3A = arith.constant 0 : index
    %swap3A_49 = tpu.vector_load %arg13[%swap3A] {strides = array<i32>} : memref<80xf32, #tpu.memory_space<vmem>>, vector<16xf32>,
    %swap3A_50 = vector.shape_cast %swap3A_49 : vector<16xf32> to vector<16xf32>
    %swap3A_51 = vector.shape_cast %broadcast_in_dim3A_48 : vector<16xf32> to vector<16xf32>
    tpu.vector_store %arg13[%swap3A], %swap3A_51 {strides = array<i32>} : memref<80xf32, #tpu.memory_space<vmem>>, vector<16xf32>,
    %broadcast_in_dim3A_52 = arith.constant 1.000000e+00 : f32
    %broadcast_in_dim3A_53 = vector.broadcast %broadcast_in_dim3A_52 : f32 to vector<16xf32>
    %swap3A_54 = arith.constant 16 : index
    %swap3A_55 = tpu.vector_load %arg13[%swap3A_54] {strides = array<i32>} : memref<80xf32, #tpu.memory_space<vmem>>, vector<16xf32>,
    %swap3A_56 = vector.shape_cast %swap3A_55 : vector<16xf32> to vector<16xf32>
    %swap3A_57 = vector.shape_cast %broadcast_in_dim3A_53 : vector<16xf32> to vector<16xf32>
    tpu.vector_store %arg13[%swap3A_54], %swap3A_57 {strides = array<i32>} : memref<80xf32, #tpu.memory_space<vmem>>, vector<16xf32>,
    %broadcast_in_dim3A_58 = arith.constant 1.000000e+00 : f32
    %broadcast_in_dim3A_59 = vector.broadcast %broadcast_in_dim3A_58 : f32 to vector<16xf32>
    %swap3A_60 = arith.constant 32 : index
    %swap3A_61 = tpu.vector_load %arg13[%swap3A_60] {strides = array<i32>} : memref<80xf32, #tpu.memory_space<vmem>>, vector<16xf32>,
    %swap3A_62 = vector.shape_cast %swap3A_61 : vector<16xf32> to vector<16xf32>
    %swap3A_63 = vector.shape_cast %broadcast_in_dim3A_59 : vector<16xf32> to vector<16xf32>
    tpu.vector_store %arg13[%swap3A_60], %swap3A_63 {strides = array<i32>} : memref<80xf32, #tpu.memory_space<vmem>>, vector<16xf32>,
    %broadcast_in_dim3A_64 = arith.constant 1.000000e+00 : f32
    %broadcast_in_dim3A_65 = vector.broadcast %broadcast_in_dim3A_64 : f32 to vector<16xf32>
    %swap3A_66 = arith.constant 48 : index
    %swap3A_67 = tpu.vector_load %arg13[%swap3A_66] {strides = array<i32>} : memref<80xf32, #tpu.memory_space<vmem>>, vector<16xf32>,
    %swap3A_68 = vector.shape_cast %swap3A_67 : vector<16xf32> to vector<16xf32>
    %swap3A_69 = vector.shape_cast %broadcast_in_dim3A_65 : vector<16xf32> to vector<16xf32>
    tpu.vector_store %arg13[%swap3A_66], %swap3A_69 {strides = array<i32>} : memref<80xf32, #tpu.memory_space<vmem>>, vector<16xf32>,
    %broadcast_in_dim3A_70 = arith.constant 1.000000e+00 : f32
    %broadcast_in_dim3A_71 = vector.broadcast %broadcast_in_dim3A_70 : f32 to vector<16xf32>
    %swap3A_72 = arith.constant 64 : index
    %swap3A_73 = tpu.vector_load %arg13[%swap3A_72] {strides = array<i32>} : memref<80xf32, #tpu.memory_space<vmem>>, vector<16xf32>,
    %swap3A_74 = vector.shape_cast %swap3A_73 : vector<16xf32> to vector<16xf32>
    %swap3A_75 = vector.shape_cast %broadcast_in_dim3A_71 : vector<16xf32> to vector<16xf32>
    tpu.vector_store %arg13[%swap3A_72], %swap3A_75 {strides = array<i32>} : memref<80xf32, #tpu.memory_space<vmem>>, vector<16xf32>,
    %barrier3A = arith.constant 0 : index
    tpu.barrier barrier_id(%barrier3A)
    "tpu.region"() ({
      %run_scoped3A = tpu.sem_alloc : memref<!tpu.dma_semaphore, #tpu.memory_space<semaphore_mem>>
      %dma_start3A_185 = tpu.memref_slice %arg3[%mul3A_2] : memref<640000xi32, #tpu.memory_space<hbm>> -> memref<10000xi32, #tpu.memory_space<hbm>>
      %dma_start3A_186 = tpu.memref_slice %arg3[%mul3A_2] : memref<640000xi32, #tpu.memory_space<hbm>> -> memref<10000xi32, #tpu.memory_space<hbm>>
      tpu.enqueue_dma source(%dma_start3A_186 : memref<10000xi32, #tpu.memory_space<hbm>>) target(%arg8 : memref<10000xi32, #tpu.memory_space<vmem>>) target_semaphore(%run_scoped3A : memref<!tpu.dma_semaphore, #tpu.memory_space<semaphore_mem>>)
      %dma_wait3A_187 = tpu.memref_slice %arg3[%mul3A_2] : memref<640000xi32, #tpu.memory_space<hbm>> -> memref<10000xi32, #tpu.memory_space<hbm>>
      %dma_wait3A_188 = tpu.memref_slice %arg3[%mul3A_2] : memref<640000xi32, #tpu.memory_space<hbm>> -> memref<10000xi32, #tpu.memory_space<hbm>>
      tpu.wait_dma2 semaphore(%run_scoped3A : memref<!tpu.dma_semaphore, #tpu.memory_space<semaphore_mem>>) src(%dma_wait3A_188 : memref<10000xi32, #tpu.memory_space<hbm>>) dst(%arg8 : memref<10000xi32, #tpu.memory_space<vmem>>)
      tpu.yield
    }) : () -> ()
    %add3A_76 = arith.constant 320000 : i32
    %add3A_77 = arith.addi %add3A_76, %mul3A_2 : i32
    %add3A_78 = arith.constant 0 : i32
    %add3A_79 = arith.addi %add3A_77, %add3A_78 : i32
    %dma_start3A = tpu.memref_slice %arg3[%add3A_79] : memref<640000xi32, #tpu.memory_space<hbm>> -> memref<80xi32, #tpu.memory_space<hbm>>
    %dma_start3A_80 = tpu.memref_slice %arg3[%add3A_79] : memref<640000xi32, #tpu.memory_space<hbm>> -> memref<80xi32, #tpu.memory_space<hbm>>
    tpu.enqueue_dma source(%dma_start3A_80 : memref<80xi32, #tpu.memory_space<hbm>>) target(%arg9 : memref<80xi32, #tpu.memory_space<vmem>>) target_semaphore(%arg21 : memref<!tpu.dma_semaphore, #tpu.memory_space<semaphore_mem>>)
    %dma_start3A_81 = arith.constant 0 : i32
    %dma_start3A_82 = tpu.memref_slice %arg8[%dma_start3A_81] : memref<10000xi32, #tpu.memory_space<vmem>> -> memref<80xi32, #tpu.memory_space<vmem>>
    %dma_start3A_83 = arith.constant 0 : i32
    %dma_start3A_84 = arith.constant 0 : i32
    %dma_start3A_85 = tpu.memref_slice %arg2[%dma_start3A_83, %dma_start3A_84] : memref<10000x128xf32, #tpu.memory_space<hbm>> -> memref<10000x128xf32, #tpu.memory_space<hbm>>
    tpu.enqueue_indirect_dma source(%dma_start3A_85 : memref<10000x128xf32, #tpu.memory_space<hbm>>) target(%arg11 : memref<80x128xf32, #tpu.memory_space<vmem>>) offsets(%dma_start3A_82 : memref<80xi32, #tpu.memory_space<vmem>>) semaphore(%arg15 : memref<!tpu.dma_semaphore, #tpu.memory_space<semaphore_mem>>)
    %dma_wait3A = arith.constant 0 : i32
    %dma_wait3A_86 = tpu.memref_slice %arg8[%dma_wait3A] : memref<10000xi32, #tpu.memory_space<vmem>> -> memref<80xi32, #tpu.memory_space<vmem>>
    %dma_wait3A_87 = arith.constant 0 : i32
    %dma_wait3A_88 = arith.constant 0 : i32
    %dma_wait3A_89 = tpu.memref_slice %arg2[%dma_wait3A_87, %dma_wait3A_88] : memref<10000x128xf32, #tpu.memory_space<hbm>> -> memref<10000x128xf32, #tpu.memory_space<hbm>>
    tpu.wait_indirect_dma semaphore(%arg15 : memref<!tpu.dma_semaphore, #tpu.memory_space<semaphore_mem>>) src(%dma_wait3A_89 : memref<10000x128xf32, #tpu.memory_space<hbm>>) dst(%arg11 : memref<80x128xf32, #tpu.memory_space<vmem>>)
    %dma_wait3A_90 = arith.constant 0 : i32
    %dma_wait3A_91 = tpu.memref_slice %arg3[%dma_wait3A_90] : memref<640000xi32, #tpu.memory_space<hbm>> -> memref<80xi32, #tpu.memory_space<hbm>>
    %dma_wait3A_92 = arith.constant 0 : i32
    %dma_wait3A_93 = tpu.memref_slice %arg3[%dma_wait3A_92] : memref<640000xi32, #tpu.memory_space<hbm>> -> memref<80xi32, #tpu.memory_space<hbm>>
    tpu.wait_dma2 semaphore(%arg21 : memref<!tpu.dma_semaphore, #tpu.memory_space<semaphore_mem>>) src(%dma_wait3A_93 : memref<80xi32, #tpu.memory_space<hbm>>) dst(%arg9 : memref<80xi32, #tpu.memory_space<vmem>>)
    %dma_start3A_94 = arith.constant 0 : i32
    %dma_start3A_95 = arith.constant 0 : i32
    %dma_start3A_96 = tpu.memref_slice %arg6[%dma_start3A_94, %dma_start3A_95] : memref<10000x128xf32, #tpu.memory_space<vmem_shared>> -> memref<10000x128xf32, #tpu.memory_space<vmem_shared>>
    tpu.enqueue_indirect_dma source(%arg11 : memref<80x128xf32, #tpu.memory_space<vmem>>) target(%dma_start3A_96 : memref<10000x128xf32, #tpu.memory_space<vmem_shared>>) offsets(%arg9 : memref<80xi32, #tpu.memory_space<vmem>>) semaphore(%arg17 : memref<!tpu.dma_semaphore, #tpu.memory_space<semaphore_mem>>) {add = true}
    %dma_start3A_97 = arith.constant 0 : i32
    %dma_start3A_98 = tpu.memref_slice %arg7[%dma_start3A_97] : memref<10000xf32, #tpu.memory_space<vmem_shared>> -> memref<10000xf32, #tpu.memory_space<vmem_shared>>
    tpu.enqueue_indirect_dma source(%arg13 : memref<80xf32, #tpu.memory_space<vmem>>) target(%dma_start3A_98 : memref<10000xf32, #tpu.memory_space<vmem_shared>>) offsets(%arg9 : memref<80xi32, #tpu.memory_space<vmem>>) semaphore(%arg19 : memref<!tpu.dma_semaphore, #tpu.memory_space<semaphore_mem>>) {add = true}
    %add3A_99 = arith.constant 320000 : i32
    %add3A_100 = arith.addi %add3A_99, %mul3A_2 : i32
    %add3A_101 = arith.constant 80 : i32
    %add3A_102 = arith.addi %add3A_100, %add3A_101 : i32
    %dma_start3A_103 = tpu.memref_slice %arg3[%add3A_102] : memref<640000xi32, #tpu.memory_space<hbm>> -> memref<80xi32, #tpu.memory_space<hbm>>
    %dma_start3A_104 = tpu.memref_slice %arg3[%add3A_102] : memref<640000xi32, #tpu.memory_space<hbm>> -> memref<80xi32, #tpu.memory_space<hbm>>
    tpu.enqueue_dma source(%dma_start3A_104 : memref<80xi32, #tpu.memory_space<hbm>>) target(%arg10 : memref<80xi32, #tpu.memory_space<vmem>>) target_semaphore(%arg22 : memref<!tpu.dma_semaphore, #tpu.memory_space<semaphore_mem>>)
    %dma_start3A_105 = arith.constant 80 : i32
    %dma_start3A_106 = tpu.memref_slice %arg8[%dma_start3A_105] : memref<10000xi32, #tpu.memory_space<vmem>> -> memref<80xi32, #tpu.memory_space<vmem>>
    %dma_start3A_107 = arith.constant 0 : i32
    %dma_start3A_108 = arith.constant 0 : i32
    %dma_start3A_109 = tpu.memref_slice %arg2[%dma_start3A_107, %dma_start3A_108] : memref<10000x128xf32, #tpu.memory_space<hbm>> -> memref<10000x128xf32, #tpu.memory_space<hbm>>
    tpu.enqueue_indirect_dma source(%dma_start3A_109 : memref<10000x128xf32, #tpu.memory_space<hbm>>) target(%arg12 : memref<80x128xf32, #tpu.memory_space<vmem>>) offsets(%dma_start3A_106 : memref<80xi32, #tpu.memory_space<vmem>>) semaphore(%arg16 : memref<!tpu.dma_semaphore, #tpu.memory_space<semaphore_mem>>)
    %scan3A_110 = arith.constant 0 : i32
    %scan3A_111 = arith.constant 0 : i32
    %scan3A_112 = arith.constant 61 : i32
    %scan3A_113 = arith.addi %scan3A_111, %scan3A_112 : i32
    %scan3A_114 = arith.constant 1 : i32
    scf.for %scan3A_185 = %scan3A_111 to %scan3A_113 step %scan3A_114  : i32 {
      %mul3A_186 = arith.constant 2 : i32
      %mul3A_187 = arith.muli %mul3A_186, %scan3A_185 : i32
      %add3A_188 = arith.constant 1 : i32
      %add3A_189 = arith.addi %mul3A_187, %add3A_188 : i32
      %dma_wait3A_190 = arith.constant 0 : i32
      %dma_wait3A_191 = tpu.memref_slice %arg8[%dma_wait3A_190] : memref<10000xi32, #tpu.memory_space<vmem>> -> memref<80xi32, #tpu.memory_space<vmem>>
      %dma_wait3A_192 = arith.constant 0 : i32
      %dma_wait3A_193 = arith.constant 0 : i32
      %dma_wait3A_194 = tpu.memref_slice %arg2[%dma_wait3A_192, %dma_wait3A_193] : memref<10000x128xf32, #tpu.memory_space<hbm>> -> memref<10000x128xf32, #tpu.memory_space<hbm>>
      tpu.wait_indirect_dma semaphore(%arg16 : memref<!tpu.dma_semaphore, #tpu.memory_space<semaphore_mem>>) src(%dma_wait3A_194 : memref<10000x128xf32, #tpu.memory_space<hbm>>) dst(%arg12 : memref<80x128xf32, #tpu.memory_space<vmem>>)
      %dma_wait3A_195 = arith.constant 0 : i32
      %dma_wait3A_196 = tpu.memref_slice %arg3[%dma_wait3A_195] : memref<640000xi32, #tpu.memory_space<hbm>> -> memref<80xi32, #tpu.memory_space<hbm>>
      %dma_wait3A_197 = arith.constant 0 : i32
      %dma_wait3A_198 = tpu.memref_slice %arg3[%dma_wait3A_197] : memref<640000xi32, #tpu.memory_space<hbm>> -> memref<80xi32, #tpu.memory_space<hbm>>
      tpu.wait_dma2 semaphore(%arg22 : memref<!tpu.dma_semaphore, #tpu.memory_space<semaphore_mem>>) src(%dma_wait3A_198 : memref<80xi32, #tpu.memory_space<hbm>>) dst(%arg10 : memref<80xi32, #tpu.memory_space<vmem>>)
      %dma_start3A_199 = arith.constant 0 : i32
      %dma_start3A_200 = arith.constant 0 : i32
      %dma_start3A_201 = tpu.memref_slice %arg6[%dma_start3A_199, %dma_start3A_200] : memref<10000x128xf32, #tpu.memory_space<vmem_shared>> -> memref<10000x128xf32, #tpu.memory_space<vmem_shared>>
      tpu.enqueue_indirect_dma source(%arg12 : memref<80x128xf32, #tpu.memory_space<vmem>>) target(%dma_start3A_201 : memref<10000x128xf32, #tpu.memory_space<vmem_shared>>) offsets(%arg10 : memref<80xi32, #tpu.memory_space<vmem>>) semaphore(%arg18 : memref<!tpu.dma_semaphore, #tpu.memory_space<semaphore_mem>>) {add = true}
      %dma_start3A_202 = arith.constant 0 : i32
      %dma_start3A_203 = tpu.memref_slice %arg7[%dma_start3A_202] : memref<10000xf32, #tpu.memory_space<vmem_shared>> -> memref<10000xf32, #tpu.memory_space<vmem_shared>>
      tpu.enqueue_indirect_dma source(%arg13 : memref<80xf32, #tpu.memory_space<vmem>>) target(%dma_start3A_203 : memref<10000xf32, #tpu.memory_space<vmem_shared>>) offsets(%arg10 : memref<80xi32, #tpu.memory_space<vmem>>) semaphore(%arg20 : memref<!tpu.dma_semaphore, #tpu.memory_space<semaphore_mem>>) {add = true}
      %dma_wait3A_204 = arith.constant 0 : i32
      %dma_wait3A_205 = arith.constant 0 : i32
      %dma_wait3A_206 = tpu.memref_slice %arg6[%dma_wait3A_204, %dma_wait3A_205] : memref<10000x128xf32, #tpu.memory_space<vmem_shared>> -> memref<10000x128xf32, #tpu.memory_space<vmem_shared>>
      tpu.wait_indirect_dma semaphore(%arg17 : memref<!tpu.dma_semaphore, #tpu.memory_space<semaphore_mem>>) src(%arg11 : memref<80x128xf32, #tpu.memory_space<vmem>>) dst(%dma_wait3A_206 : memref<10000x128xf32, #tpu.memory_space<vmem_shared>>)
      %dma_wait3A_207 = arith.constant 0 : i32
      %dma_wait3A_208 = tpu.memref_slice %arg7[%dma_wait3A_207] : memref<10000xf32, #tpu.memory_space<vmem_shared>> -> memref<10000xf32, #tpu.memory_space<vmem_shared>>
      tpu.wait_indirect_dma semaphore(%arg19 : memref<!tpu.dma_semaphore, #tpu.memory_space<semaphore_mem>>) src(%arg13 : memref<80xf32, #tpu.memory_space<vmem>>) dst(%dma_wait3A_208 : memref<10000xf32, #tpu.memory_space<vmem_shared>>)
      %add3A_209 = arith.constant 1 : i32
      %add3A_210 = arith.addi %add3A_189, %add3A_209 : i32
      %add3A_211 = arith.constant 320000 : i32
      %add3A_212 = arith.addi %add3A_211, %mul3A_2 : i32
      %mul3A_213 = arith.constant 80 : i32
      %mul3A_214 = arith.muli %add3A_210, %mul3A_213 : i32
      %add3A_215 = arith.addi %add3A_212, %mul3A_214 : i32
      %dma_start3A_216 = tpu.memref_slice %arg3[%add3A_215] : memref<640000xi32, #tpu.memory_space<hbm>> -> memref<80xi32, #tpu.memory_space<hbm>>
      %dma_start3A_217 = tpu.memref_slice %arg3[%add3A_215] : memref<640000xi32, #tpu.memory_space<hbm>> -> memref<80xi32, #tpu.memory_space<hbm>>
      tpu.enqueue_dma source(%dma_start3A_217 : memref<80xi32, #tpu.memory_space<hbm>>) target(%arg9 : memref<80xi32, #tpu.memory_space<vmem>>) target_semaphore(%arg21 : memref<!tpu.dma_semaphore, #tpu.memory_space<semaphore_mem>>)
      %add3A_218 = arith.constant 1 : i32
      %add3A_219 = arith.addi %add3A_189, %add3A_218 : i32
      %mul3A_220 = arith.constant 80 : i32
      %mul3A_221 = arith.muli %add3A_219, %mul3A_220 : i32
      %dma_start3A_222 = tpu.memref_slice %arg8[%mul3A_221] : memref<10000xi32, #tpu.memory_space<vmem>> -> memref<80xi32, #tpu.memory_space<vmem>>
      %dma_start3A_223 = arith.constant 0 : i32
      %dma_start3A_224 = arith.constant 0 : i32
      %dma_start3A_225 = tpu.memref_slice %arg2[%dma_start3A_223, %dma_start3A_224] : memref<10000x128xf32, #tpu.memory_space<hbm>> -> memref<10000x128xf32, #tpu.memory_space<hbm>>
      tpu.enqueue_indirect_dma source(%dma_start3A_225 : memref<10000x128xf32, #tpu.memory_space<hbm>>) target(%arg11 : memref<80x128xf32, #tpu.memory_space<vmem>>) offsets(%dma_start3A_222 : memref<80xi32, #tpu.memory_space<vmem>>) semaphore(%arg15 : memref<!tpu.dma_semaphore, #tpu.memory_space<semaphore_mem>>)
      %add3A_226 = arith.constant 1 : i32
      %add3A_227 = arith.addi %add3A_189, %add3A_226 : i32
      %dma_wait3A_228 = arith.constant 0 : i32
      %dma_wait3A_229 = tpu.memref_slice %arg8[%dma_wait3A_228] : memref<10000xi32, #tpu.memory_space<vmem>> -> memref<80xi32, #tpu.memory_space<vmem>>
      %dma_wait3A_230 = arith.constant 0 : i32
      %dma_wait3A_231 = arith.constant 0 : i32
      %dma_wait3A_232 = tpu.memref_slice %arg2[%dma_wait3A_230, %dma_wait3A_231] : memref<10000x128xf32, #tpu.memory_space<hbm>> -> memref<10000x128xf32, #tpu.memory_space<hbm>>
      tpu.wait_indirect_dma semaphore(%arg15 : memref<!tpu.dma_semaphore, #tpu.memory_space<semaphore_mem>>) src(%dma_wait3A_232 : memref<10000x128xf32, #tpu.memory_space<hbm>>) dst(%arg11 : memref<80x128xf32, #tpu.memory_space<vmem>>)
      %dma_wait3A_233 = arith.constant 0 : i32
      %dma_wait3A_234 = tpu.memref_slice %arg3[%dma_wait3A_233] : memref<640000xi32, #tpu.memory_space<hbm>> -> memref<80xi32, #tpu.memory_space<hbm>>
      %dma_wait3A_235 = arith.constant 0 : i32
      %dma_wait3A_236 = tpu.memref_slice %arg3[%dma_wait3A_235] : memref<640000xi32, #tpu.memory_space<hbm>> -> memref<80xi32, #tpu.memory_space<hbm>>
      tpu.wait_dma2 semaphore(%arg21 : memref<!tpu.dma_semaphore, #tpu.memory_space<semaphore_mem>>) src(%dma_wait3A_236 : memref<80xi32, #tpu.memory_space<hbm>>) dst(%arg9 : memref<80xi32, #tpu.memory_space<vmem>>)
      %dma_start3A_237 = arith.constant 0 : i32
      %dma_start3A_238 = arith.constant 0 : i32
      %dma_start3A_239 = tpu.memref_slice %arg6[%dma_start3A_237, %dma_start3A_238] : memref<10000x128xf32, #tpu.memory_space<vmem_shared>> -> memref<10000x128xf32, #tpu.memory_space<vmem_shared>>
      tpu.enqueue_indirect_dma source(%arg11 : memref<80x128xf32, #tpu.memory_space<vmem>>) target(%dma_start3A_239 : memref<10000x128xf32, #tpu.memory_space<vmem_shared>>) offsets(%arg9 : memref<80xi32, #tpu.memory_space<vmem>>) semaphore(%arg17 : memref<!tpu.dma_semaphore, #tpu.memory_space<semaphore_mem>>) {add = true}
      %dma_start3A_240 = arith.constant 0 : i32
      %dma_start3A_241 = tpu.memref_slice %arg7[%dma_start3A_240] : memref<10000xf32, #tpu.memory_space<vmem_shared>> -> memref<10000xf32, #tpu.memory_space<vmem_shared>>
      tpu.enqueue_indirect_dma source(%arg13 : memref<80xf32, #tpu.memory_space<vmem>>) target(%dma_start3A_241 : memref<10000xf32, #tpu.memory_space<vmem_shared>>) offsets(%arg9 : memref<80xi32, #tpu.memory_space<vmem>>) semaphore(%arg19 : memref<!tpu.dma_semaphore, #tpu.memory_space<semaphore_mem>>) {add = true}
      %dma_wait3A_242 = arith.constant 0 : i32
      %dma_wait3A_243 = arith.constant 0 : i32
      %dma_wait3A_244 = tpu.memref_slice %arg6[%dma_wait3A_242, %dma_wait3A_243] : memref<10000x128xf32, #tpu.memory_space<vmem_shared>> -> memref<10000x128xf32, #tpu.memory_space<vmem_shared>>
      tpu.wait_indirect_dma semaphore(%arg18 : memref<!tpu.dma_semaphore, #tpu.memory_space<semaphore_mem>>) src(%arg12 : memref<80x128xf32, #tpu.memory_space<vmem>>) dst(%dma_wait3A_244 : memref<10000x128xf32, #tpu.memory_space<vmem_shared>>)
      %dma_wait3A_245 = arith.constant 0 : i32
      %dma_wait3A_246 = tpu.memref_slice %arg7[%dma_wait3A_245] : memref<10000xf32, #tpu.memory_space<vmem_shared>> -> memref<10000xf32, #tpu.memory_space<vmem_shared>>
      tpu.wait_indirect_dma semaphore(%arg20 : memref<!tpu.dma_semaphore, #tpu.memory_space<semaphore_mem>>) src(%arg13 : memref<80xf32, #tpu.memory_space<vmem>>) dst(%dma_wait3A_246 : memref<10000xf32, #tpu.memory_space<vmem_shared>>)
      %add3A_247 = arith.constant 1 : i32
      %add3A_248 = arith.addi %add3A_227, %add3A_247 : i32
      %add3A_249 = arith.constant 320000 : i32
      %add3A_250 = arith.addi %add3A_249, %mul3A_2 : i32
      %mul3A_251 = arith.constant 80 : i32
      %mul3A_252 = arith.muli %add3A_248, %mul3A_251 : i32
      %add3A_253 = arith.addi %add3A_250, %mul3A_252 : i32
      %dma_start3A_254 = tpu.memref_slice %arg3[%add3A_253] : memref<640000xi32, #tpu.memory_space<hbm>> -> memref<80xi32, #tpu.memory_space<hbm>>
      %dma_start3A_255 = tpu.memref_slice %arg3[%add3A_253] : memref<640000xi32, #tpu.memory_space<hbm>> -> memref<80xi32, #tpu.memory_space<hbm>>
      tpu.enqueue_dma source(%dma_start3A_255 : memref<80xi32, #tpu.memory_space<hbm>>) target(%arg10 : memref<80xi32, #tpu.memory_space<vmem>>) target_semaphore(%arg22 : memref<!tpu.dma_semaphore, #tpu.memory_space<semaphore_mem>>)
      %add3A_256 = arith.constant 1 : i32
      %add3A_257 = arith.addi %add3A_227, %add3A_256 : i32
      %mul3A_258 = arith.constant 80 : i32
      %mul3A_259 = arith.muli %add3A_257, %mul3A_258 : i32
      %dma_start3A_260 = tpu.memref_slice %arg8[%mul3A_259] : memref<10000xi32, #tpu.memory_space<vmem>> -> memref<80xi32, #tpu.memory_space<vmem>>
      %dma_start3A_261 = arith.constant 0 : i32
      %dma_start3A_262 = arith.constant 0 : i32
      %dma_start3A_263 = tpu.memref_slice %arg2[%dma_start3A_261, %dma_start3A_262] : memref<10000x128xf32, #tpu.memory_space<hbm>> -> memref<10000x128xf32, #tpu.memory_space<hbm>>
      tpu.enqueue_indirect_dma source(%dma_start3A_263 : memref<10000x128xf32, #tpu.memory_space<hbm>>) target(%arg12 : memref<80x128xf32, #tpu.memory_space<vmem>>) offsets(%dma_start3A_260 : memref<80xi32, #tpu.memory_space<vmem>>) semaphore(%arg16 : memref<!tpu.dma_semaphore, #tpu.memory_space<semaphore_mem>>)
    }
    %scan3A_115 = arith.constant 61 : i32
    %dma_wait3A_116 = arith.constant 0 : i32
    %dma_wait3A_117 = tpu.memref_slice %arg8[%dma_wait3A_116] : memref<10000xi32, #tpu.memory_space<vmem>> -> memref<80xi32, #tpu.memory_space<vmem>>
    %dma_wait3A_118 = arith.constant 0 : i32
    %dma_wait3A_119 = arith.constant 0 : i32
    %dma_wait3A_120 = tpu.memref_slice %arg2[%dma_wait3A_118, %dma_wait3A_119] : memref<10000x128xf32, #tpu.memory_space<hbm>> -> memref<10000x128xf32, #tpu.memory_space<hbm>>
    tpu.wait_indirect_dma semaphore(%arg16 : memref<!tpu.dma_semaphore, #tpu.memory_space<semaphore_mem>>) src(%dma_wait3A_120 : memref<10000x128xf32, #tpu.memory_space<hbm>>) dst(%arg12 : memref<80x128xf32, #tpu.memory_space<vmem>>)
    %dma_wait3A_121 = arith.constant 0 : i32
    %dma_wait3A_122 = tpu.memref_slice %arg3[%dma_wait3A_121] : memref<640000xi32, #tpu.memory_space<hbm>> -> memref<80xi32, #tpu.memory_space<hbm>>
    %dma_wait3A_123 = arith.constant 0 : i32
    %dma_wait3A_124 = tpu.memref_slice %arg3[%dma_wait3A_123] : memref<640000xi32, #tpu.memory_space<hbm>> -> memref<80xi32, #tpu.memory_space<hbm>>
    tpu.wait_dma2 semaphore(%arg22 : memref<!tpu.dma_semaphore, #tpu.memory_space<semaphore_mem>>) src(%dma_wait3A_124 : memref<80xi32, #tpu.memory_space<hbm>>) dst(%arg10 : memref<80xi32, #tpu.memory_space<vmem>>)
    %dma_start3A_125 = arith.constant 0 : i32
    %dma_start3A_126 = arith.constant 0 : i32
    %dma_start3A_127 = tpu.memref_slice %arg6[%dma_start3A_125, %dma_start3A_126] : memref<10000x128xf32, #tpu.memory_space<vmem_shared>> -> memref<10000x128xf32, #tpu.memory_space<vmem_shared>>
    tpu.enqueue_indirect_dma source(%arg12 : memref<80x128xf32, #tpu.memory_space<vmem>>) target(%dma_start3A_127 : memref<10000x128xf32, #tpu.memory_space<vmem_shared>>) offsets(%arg10 : memref<80xi32, #tpu.memory_space<vmem>>) semaphore(%arg18 : memref<!tpu.dma_semaphore, #tpu.memory_space<semaphore_mem>>) {add = true}
    %dma_start3A_128 = arith.constant 0 : i32
    %dma_start3A_129 = tpu.memref_slice %arg7[%dma_start3A_128] : memref<10000xf32, #tpu.memory_space<vmem_shared>> -> memref<10000xf32, #tpu.memory_space<vmem_shared>>
    tpu.enqueue_indirect_dma source(%arg13 : memref<80xf32, #tpu.memory_space<vmem>>) target(%dma_start3A_129 : memref<10000xf32, #tpu.memory_space<vmem_shared>>) offsets(%arg10 : memref<80xi32, #tpu.memory_space<vmem>>) semaphore(%arg20 : memref<!tpu.dma_semaphore, #tpu.memory_space<semaphore_mem>>) {add = true}
    %dma_wait3A_130 = arith.constant 0 : i32
    %dma_wait3A_131 = arith.constant 0 : i32
    %dma_wait3A_132 = tpu.memref_slice %arg6[%dma_wait3A_130, %dma_wait3A_131] : memref<10000x128xf32, #tpu.memory_space<vmem_shared>> -> memref<10000x128xf32, #tpu.memory_space<vmem_shared>>
    tpu.wait_indirect_dma semaphore(%arg17 : memref<!tpu.dma_semaphore, #tpu.memory_space<semaphore_mem>>) src(%arg11 : memref<80x128xf32, #tpu.memory_space<vmem>>) dst(%dma_wait3A_132 : memref<10000x128xf32, #tpu.memory_space<vmem_shared>>)
    %dma_wait3A_133 = arith.constant 0 : i32
    %dma_wait3A_134 = tpu.memref_slice %arg7[%dma_wait3A_133] : memref<10000xf32, #tpu.memory_space<vmem_shared>> -> memref<10000xf32, #tpu.memory_space<vmem_shared>>
    tpu.wait_indirect_dma semaphore(%arg19 : memref<!tpu.dma_semaphore, #tpu.memory_space<semaphore_mem>>) src(%arg13 : memref<80xf32, #tpu.memory_space<vmem>>) dst(%dma_wait3A_134 : memref<10000xf32, #tpu.memory_space<vmem_shared>>)
    %add3A_135 = arith.constant 320000 : i32
    %add3A_136 = arith.addi %add3A_135, %mul3A_2 : i32
    %add3A_137 = arith.constant 9920 : i32
    %add3A_138 = arith.addi %add3A_136, %add3A_137 : i32
    %dma_start3A_139 = tpu.memref_slice %arg3[%add3A_138] : memref<640000xi32, #tpu.memory_space<hbm>> -> memref<80xi32, #tpu.memory_space<hbm>>
    %dma_start3A_140 = tpu.memref_slice %arg3[%add3A_138] : memref<640000xi32, #tpu.memory_space<hbm>> -> memref<80xi32, #tpu.memory_space<hbm>>
    tpu.enqueue_dma source(%dma_start3A_140 : memref<80xi32, #tpu.memory_space<hbm>>) target(%arg9 : memref<80xi32, #tpu.memory_space<vmem>>) target_semaphore(%arg21 : memref<!tpu.dma_semaphore, #tpu.memory_space<semaphore_mem>>)
    %dma_start3A_141 = arith.constant 9920 : i32
    %dma_start3A_142 = tpu.memref_slice %arg8[%dma_start3A_141] : memref<10000xi32, #tpu.memory_space<vmem>> -> memref<80xi32, #tpu.memory_space<vmem>>
    %dma_start3A_143 = arith.constant 0 : i32
    %dma_start3A_144 = arith.constant 0 : i32
    %dma_start3A_145 = tpu.memref_slice %arg2[%dma_start3A_143, %dma_start3A_144] : memref<10000x128xf32, #tpu.memory_space<hbm>> -> memref<10000x128xf32, #tpu.memory_space<hbm>>
    tpu.enqueue_indirect_dma source(%dma_start3A_145 : memref<10000x128xf32, #tpu.memory_space<hbm>>) target(%arg11 : memref<80x128xf32, #tpu.memory_space<vmem>>) offsets(%dma_start3A_142 : memref<80xi32, #tpu.memory_space<vmem>>) semaphore(%arg15 : memref<!tpu.dma_semaphore, #tpu.memory_space<semaphore_mem>>)
    %dma_wait3A_146 = arith.constant 0 : i32
    %dma_wait3A_147 = tpu.memref_slice %arg8[%dma_wait3A_146] : memref<10000xi32, #tpu.memory_space<vmem>> -> memref<80xi32, #tpu.memory_space<vmem>>
    %dma_wait3A_148 = arith.constant 0 : i32
    %dma_wait3A_149 = arith.constant 0 : i32
    %dma_wait3A_150 = tpu.memref_slice %arg2[%dma_wait3A_148, %dma_wait3A_149] : memref<10000x128xf32, #tpu.memory_space<hbm>> -> memref<10000x128xf32, #tpu.memory_space<hbm>>
    tpu.wait_indirect_dma semaphore(%arg15 : memref<!tpu.dma_semaphore, #tpu.memory_space<semaphore_mem>>) src(%dma_wait3A_150 : memref<10000x128xf32, #tpu.memory_space<hbm>>) dst(%arg11 : memref<80x128xf32, #tpu.memory_space<vmem>>)
    %dma_wait3A_151 = arith.constant 0 : i32
    %dma_wait3A_152 = tpu.memref_slice %arg3[%dma_wait3A_151] : memref<640000xi32, #tpu.memory_space<hbm>> -> memref<80xi32, #tpu.memory_space<hbm>>
    %dma_wait3A_153 = arith.constant 0 : i32
    %dma_wait3A_154 = tpu.memref_slice %arg3[%dma_wait3A_153] : memref<640000xi32, #tpu.memory_space<hbm>> -> memref<80xi32, #tpu.memory_space<hbm>>
    tpu.wait_dma2 semaphore(%arg21 : memref<!tpu.dma_semaphore, #tpu.memory_space<semaphore_mem>>) src(%dma_wait3A_154 : memref<80xi32, #tpu.memory_space<hbm>>) dst(%arg9 : memref<80xi32, #tpu.memory_space<vmem>>)
    %dma_start3A_155 = arith.constant 0 : i32
    %dma_start3A_156 = arith.constant 0 : i32
    %dma_start3A_157 = tpu.memref_slice %arg6[%dma_start3A_155, %dma_start3A_156] : memref<10000x128xf32, #tpu.memory_space<vmem_shared>> -> memref<10000x128xf32, #tpu.memory_space<vmem_shared>>
    tpu.enqueue_indirect_dma source(%arg11 : memref<80x128xf32, #tpu.memory_space<vmem>>) target(%dma_start3A_157 : memref<10000x128xf32, #tpu.memory_space<vmem_shared>>) offsets(%arg9 : memref<80xi32, #tpu.memory_space<vmem>>) semaphore(%arg17 : memref<!tpu.dma_semaphore, #tpu.memory_space<semaphore_mem>>) {add = true}
    %dma_start3A_158 = arith.constant 0 : i32
    %dma_start3A_159 = tpu.memref_slice %arg7[%dma_start3A_158] : memref<10000xf32, #tpu.memory_space<vmem_shared>> -> memref<10000xf32, #tpu.memory_space<vmem_shared>>
    tpu.enqueue_indirect_dma source(%arg13 : memref<80xf32, #tpu.memory_space<vmem>>) target(%dma_start3A_159 : memref<10000xf32, #tpu.memory_space<vmem_shared>>) offsets(%arg9 : memref<80xi32, #tpu.memory_space<vmem>>) semaphore(%arg19 : memref<!tpu.dma_semaphore, #tpu.memory_space<semaphore_mem>>) {add = true}
    %dma_wait3A_160 = arith.constant 0 : i32
    %dma_wait3A_161 = arith.constant 0 : i32
    %dma_wait3A_162 = tpu.memref_slice %arg6[%dma_wait3A_160, %dma_wait3A_161] : memref<10000x128xf32, #tpu.memory_space<vmem_shared>> -> memref<10000x128xf32, #tpu.memory_space<vmem_shared>>
    tpu.wait_indirect_dma semaphore(%arg18 : memref<!tpu.dma_semaphore, #tpu.memory_space<semaphore_mem>>) src(%arg12 : memref<80x128xf32, #tpu.memory_space<vmem>>) dst(%dma_wait3A_162 : memref<10000x128xf32, #tpu.memory_space<vmem_shared>>)
    %dma_wait3A_163 = arith.constant 0 : i32
    %dma_wait3A_164 = tpu.memref_slice %arg7[%dma_wait3A_163] : memref<10000xf32, #tpu.memory_space<vmem_shared>> -> memref<10000xf32, #tpu.memory_space<vmem_shared>>
    tpu.wait_indirect_dma semaphore(%arg20 : memref<!tpu.dma_semaphore, #tpu.memory_space<semaphore_mem>>) src(%arg13 : memref<80xf32, #tpu.memory_space<vmem>>) dst(%dma_wait3A_164 : memref<10000xf32, #tpu.memory_space<vmem_shared>>)
    %dma_wait3A_165 = arith.constant 0 : i32
    %dma_wait3A_166 = arith.constant 0 : i32
    %dma_wait3A_167 = tpu.memref_slice %arg6[%dma_wait3A_165, %dma_wait3A_166] : memref<10000x128xf32, #tpu.memory_space<vmem_shared>> -> memref<10000x128xf32, #tpu.memory_space<vmem_shared>>
    tpu.wait_indirect_dma semaphore(%arg17 : memref<!tpu.dma_semaphore, #tpu.memory_space<semaphore_mem>>) src(%arg11 : memref<80x128xf32, #tpu.memory_space<vmem>>) dst(%dma_wait3A_167 : memref<10000x128xf32, #tpu.memory_space<vmem_shared>>)
    %dma_wait3A_168 = arith.constant 0 : i32
    %dma_wait3A_169 = tpu.memref_slice %arg7[%dma_wait3A_168] : memref<10000xf32, #tpu.memory_space<vmem_shared>> -> memref<10000xf32, #tpu.memory_space<vmem_shared>>
    tpu.wait_indirect_dma semaphore(%arg19 : memref<!tpu.dma_semaphore, #tpu.memory_space<semaphore_mem>>) src(%arg13 : memref<80xf32, #tpu.memory_space<vmem>>) dst(%dma_wait3A_169 : memref<10000xf32, #tpu.memory_space<vmem_shared>>)
    %barrier3A_170 = arith.constant 0 : index
    tpu.barrier barrier_id(%barrier3A_170)
    %lt3A_171 = arith.constant 15 : i32
    %lt3A_172 = arith.cmpi slt, %arg1, %lt3A_171 : i32
    %convert_element_type3A_173 = arith.extui %lt3A_172 : i1 to i32
    %cond3A_174 = arith.constant 0 : i32
    %cond3A_175 = arith.cmpi ne, %convert_element_type3A_173, %cond3A_174 : i32
    scf.if %cond3A_175 {
      %mul3A_185 = arith.constant 632 : i32
      %mul3A_186 = arith.muli %arg1, %mul3A_185 : i32
      %mul3A_187 = arith.constant 632 : i32
      %mul3A_188 = arith.muli %arg1, %mul3A_187 : i32
      "tpu.region"() ({
        %run_scoped3A = tpu.sem_alloc : memref<!tpu.dma_semaphore, #tpu.memory_space<semaphore_mem>>
        %dma_start3A_189 = arith.constant 0 : i32
        %dma_start3A_190 = tpu.memref_slice %arg4[%arg0, %mul3A_188, %dma_start3A_189] : memref<2x10000x128xf32, #tpu.memory_space<hbm>> -> memref<1x632x128xf32, #tpu.memory_space<hbm>>
        %dma_start3A_191 = tpu.memref_squeeze %dma_start3A_190 : memref<1x632x128xf32, #tpu.memory_space<hbm>> -> memref<632x128xf32, #tpu.memory_space<hbm>>
        %dma_start3A_192 = arith.constant 0 : i32
        %dma_start3A_193 = tpu.memref_slice %arg6[%mul3A_186, %dma_start3A_192] : memref<10000x128xf32, #tpu.memory_space<vmem_shared>> -> memref<632x128xf32, #tpu.memory_space<vmem_shared>>
        tpu.enqueue_dma source(%dma_start3A_193 : memref<632x128xf32, #tpu.memory_space<vmem_shared>>) target(%dma_start3A_191 : memref<632x128xf32, #tpu.memory_space<hbm>>) target_semaphore(%run_scoped3A : memref<!tpu.dma_semaphore, #tpu.memory_space<semaphore_mem>>)
        %dma_wait3A_194 = arith.constant 0 : i32
        %dma_wait3A_195 = tpu.memref_slice %arg4[%arg0, %mul3A_188, %dma_wait3A_194] : memref<2x10000x128xf32, #tpu.memory_space<hbm>> -> memref<1x632x128xf32, #tpu.memory_space<hbm>>
        %dma_wait3A_196 = tpu.memref_squeeze %dma_wait3A_195 : memref<1x632x128xf32, #tpu.memory_space<hbm>> -> memref<632x128xf32, #tpu.memory_space<hbm>>
        %dma_wait3A_197 = arith.constant 0 : i32
        %dma_wait3A_198 = tpu.memref_slice %arg6[%mul3A_186, %dma_wait3A_197] : memref<10000x128xf32, #tpu.memory_space<vmem_shared>> -> memref<632x128xf32, #tpu.memory_space<vmem_shared>>
        tpu.wait_dma2 semaphore(%run_scoped3A : memref<!tpu.dma_semaphore, #tpu.memory_space<semaphore_mem>>) src(%dma_wait3A_198 : memref<632x128xf32, #tpu.memory_space<vmem_shared>>) dst(%dma_wait3A_196 : memref<632x128xf32, #tpu.memory_space<hbm>>)
        tpu.yield
      }) : () -> ()
    } else {
    }
    %eq3A = arith.constant 15 : i32
    %eq3A_176 = arith.cmpi eq, %arg1, %eq3A : i32
    %convert_element_type3A_177 = arith.extui %eq3A_176 : i1 to i32
    %cond3A_178 = arith.constant 0 : i32
    %cond3A_179 = arith.cmpi ne, %convert_element_type3A_177, %cond3A_178 : i32
    scf.if %cond3A_179 {
      %mul3A_185 = arith.constant 632 : i32
      %mul3A_186 = arith.muli %arg1, %mul3A_185 : i32
      %mul3A_187 = arith.constant 632 : i32
      %mul3A_188 = arith.muli %arg1, %mul3A_187 : i32
      "tpu.region"() ({
        %run_scoped3A = tpu.sem_alloc : memref<!tpu.dma_semaphore, #tpu.memory_space<semaphore_mem>>
        %dma_start3A_189 = arith.constant 0 : i32
        %dma_start3A_190 = tpu.memref_slice %arg4[%arg0, %mul3A_188, %dma_start3A_189] : memref<2x10000x128xf32, #tpu.memory_space<hbm>> -> memref<1x520x128xf32, #tpu.memory_space<hbm>>
        %dma_start3A_191 = tpu.memref_squeeze %dma_start3A_190 : memref<1x520x128xf32, #tpu.memory_space<hbm>> -> memref<520x128xf32, #tpu.memory_space<hbm>>
        %dma_start3A_192 = arith.constant 0 : i32
        %dma_start3A_193 = tpu.memref_slice %arg6[%mul3A_186, %dma_start3A_192] : memref<10000x128xf32, #tpu.memory_space<vmem_shared>> -> memref<520x128xf32, #tpu.memory_space<vmem_shared>>
        tpu.enqueue_dma source(%dma_start3A_193 : memref<520x128xf32, #tpu.memory_space<vmem_shared>>) target(%dma_start3A_191 : memref<520x128xf32, #tpu.memory_space<hbm>>) target_semaphore(%run_scoped3A : memref<!tpu.dma_semaphore, #tpu.memory_space<semaphore_mem>>)
        %dma_wait3A_194 = arith.constant 0 : i32
        %dma_wait3A_195 = tpu.memref_slice %arg4[%arg0, %mul3A_188, %dma_wait3A_194] : memref<2x10000x128xf32, #tpu.memory_space<hbm>> -> memref<1x520x128xf32, #tpu.memory_space<hbm>>
        %dma_wait3A_196 = tpu.memref_squeeze %dma_wait3A_195 : memref<1x520x128xf32, #tpu.memory_space<hbm>> -> memref<520x128xf32, #tpu.memory_space<hbm>>
        %dma_wait3A_197 = arith.constant 0 : i32
        %dma_wait3A_198 = tpu.memref_slice %arg6[%mul3A_186, %dma_wait3A_197] : memref<10000x128xf32, #tpu.memory_space<vmem_shared>> -> memref<520x128xf32, #tpu.memory_space<vmem_shared>>
        tpu.wait_dma2 semaphore(%run_scoped3A : memref<!tpu.dma_semaphore, #tpu.memory_space<semaphore_mem>>) src(%dma_wait3A_198 : memref<520x128xf32, #tpu.memory_space<vmem_shared>>) dst(%dma_wait3A_196 : memref<520x128xf32, #tpu.memory_space<hbm>>)
        tpu.yield
      }) : () -> ()
    } else {
    }
    %lt3A_180 = arith.constant 5 : i32
    %lt3A_181 = arith.cmpi slt, %arg1, %lt3A_180 : i32
    %convert_element_type3A_182 = arith.extui %lt3A_181 : i1 to i32
    %cond3A_183 = arith.constant 0 : i32
    %cond3A_184 = arith.cmpi ne, %convert_element_type3A_182, %cond3A_183 : i32
    scf.if %cond3A_184 {
      %mul3A_185 = arith.constant 2000 : i32
      %mul3A_186 = arith.muli %arg1, %mul3A_185 : i32
      "tpu.region"() ({
        %run_scoped3A = tpu.sem_alloc : memref<!tpu.dma_semaphore, #tpu.memory_space<semaphore_mem>>
        %dma_start3A_192 = tpu.memref_slice %arg7[%mul3A_186] : memref<10000xf32, #tpu.memory_space<vmem_shared>> -> memref<2000xf32, #tpu.memory_space<vmem_shared>>
        %dma_start3A_193 = tpu.memref_slice %arg7[%mul3A_186] : memref<10000xf32, #tpu.memory_space<vmem_shared>> -> memref<2000xf32, #tpu.memory_space<vmem_shared>>
        tpu.enqueue_dma source(%dma_start3A_193 : memref<2000xf32, #tpu.memory_space<vmem_shared>>) target(%arg14 : memref<2000xf32, #tpu.memory_space<vmem>>) target_semaphore(%run_scoped3A : memref<!tpu.dma_semaphore, #tpu.memory_space<semaphore_mem>>)
        %dma_wait3A_194 = tpu.memref_slice %arg7[%mul3A_186] : memref<10000xf32, #tpu.memory_space<vmem_shared>> -> memref<2000xf32, #tpu.memory_space<vmem_shared>>
        %dma_wait3A_195 = tpu.memref_slice %arg7[%mul3A_186] : memref<10000xf32, #tpu.memory_space<vmem_shared>> -> memref<2000xf32, #tpu.memory_space<vmem_shared>>
        tpu.wait_dma2 semaphore(%run_scoped3A : memref<!tpu.dma_semaphore, #tpu.memory_space<semaphore_mem>>) src(%dma_wait3A_195 : memref<2000xf32, #tpu.memory_space<vmem_shared>>) dst(%arg14 : memref<2000xf32, #tpu.memory_space<vmem>>)
        tpu.yield
      }) : () -> ()
      %mul3A_187 = arith.constant 10000 : i32
      %mul3A_188 = arith.muli %arg0, %mul3A_187 : i32
      %mul3A_189 = arith.constant 2000 : i32
      %mul3A_190 = arith.muli %arg1, %mul3A_189 : i32
      %add3A_191 = arith.addi %mul3A_188, %mul3A_190 : i32
      "tpu.region"() ({
        %run_scoped3A = tpu.sem_alloc : memref<!tpu.dma_semaphore, #tpu.memory_space<semaphore_mem>>
        %dma_start3A_192 = tpu.memref_slice %arg5[%add3A_191] : memref<20000xf32, #tpu.memory_space<hbm>> -> memref<2000xf32, #tpu.memory_space<hbm>>
        %dma_start3A_193 = tpu.memref_slice %arg5[%add3A_191] : memref<20000xf32, #tpu.memory_space<hbm>> -> memref<2000xf32, #tpu.memory_space<hbm>>
        tpu.enqueue_dma source(%arg14 : memref<2000xf32, #tpu.memory_space<vmem>>) target(%dma_start3A_193 : memref<2000xf32, #tpu.memory_space<hbm>>) target_semaphore(%run_scoped3A : memref<!tpu.dma_semaphore, #tpu.memory_space<semaphore_mem>>)
        %dma_wait3A_194 = tpu.memref_slice %arg5[%add3A_191] : memref<20000xf32, #tpu.memory_space<hbm>> -> memref<2000xf32, #tpu.memory_space<hbm>>
        %dma_wait3A_195 = tpu.memref_slice %arg5[%add3A_191] : memref<20000xf32, #tpu.memory_space<hbm>> -> memref<2000xf32, #tpu.memory_space<hbm>>
        tpu.wait_dma2 semaphore(%run_scoped3A : memref<!tpu.dma_semaphore, #tpu.memory_space<semaphore_mem>>) src(%arg14 : memref<2000xf32, #tpu.memory_space<vmem>>) dst(%dma_wait3A_195 : memref<2000xf32, #tpu.memory_space<hbm>>)
        tpu.yield
      }) : () -> ()
    } else {
    }
    return
  }
}

#map = affine_map<(d0, d1) -> (0, 0)>
#map1 = affine_map<(d0, d1) -> (0)>
#map2 = affine_map<(d0, d1) -> (0, 0, 0)>
module attributes {stable_mosaic.version = 14 : i64} {
  func.func @sage_sc_agg(%arg0: i32, %arg1: i32, %arg2: memref<10000x128xf32, #tpu.memory_space<hbm>>, %arg3: memref<640000xi32, #tpu.memory_space<hbm>>, %arg4: memref<2x10000x128xf32, #tpu.memory_space<hbm>>, %arg5: memref<20000xf32, #tpu.memory_space<hbm>>, %arg6: memref<10000x128xf32, #tpu.memory_space<vmem_shared>>, %arg7: memref<10000xf32, #tpu.memory_space<vmem_shared>>, %arg8: memref<10000xi32, #tpu.memory_space<vmem>>, %arg9: memref<80xi32, #tpu.memory_space<vmem>>, %arg10: memref<80xi32, #tpu.memory_space<vmem>>, %arg11: memref<80x128xf32, #tpu.memory_space<vmem>>, %arg12: memref<80x128xf32, #tpu.memory_space<vmem>>, %arg13: memref<80xf32, #tpu.memory_space<vmem>>, %arg14: memref<2000xf32, #tpu.memory_space<vmem>>, %arg15: memref<!tpu.dma_semaphore, #tpu.memory_space<semaphore_mem>>, %arg16: memref<!tpu.dma_semaphore, #tpu.memory_space<semaphore_mem>>, %arg17: memref<!tpu.dma_semaphore, #tpu.memory_space<semaphore_mem>>, %arg18: memref<!tpu.dma_semaphore, #tpu.memory_space<semaphore_mem>>, %arg19: memref<!tpu.dma_semaphore, #tpu.memory_space<semaphore_mem>>, %arg20: memref<!tpu.dma_semaphore, #tpu.memory_space<semaphore_mem>>, %arg21: memref<!tpu.dma_semaphore, #tpu.memory_space<semaphore_mem>>, %arg22: memref<!tpu.dma_semaphore, #tpu.memory_space<semaphore_mem>>) attributes {dimension_semantics = [#tpu.dimension_semantics<core_parallel>, #tpu.dimension_semantics<subcore_parallel>], iteration_bounds = array<i64: 2, 16>, scalar_prefetch = 0 : i64, scratch_operands = 17 : i64, tpu.core_type = #tpu.core_type<sc_vector_subcore>, window_params = [{transform_indices = #map}, {transform_indices = #map1}, {transform_indices = #map2}, {transform_indices = #map1}]} {
    %mul3A = arith.constant 16 : i32
    %mul3A_0 = arith.muli %arg0, %mul3A : i32
    %add3A = arith.addi %mul3A_0, %arg1 : i32
    %mul3A_1 = arith.constant 10000 : i32
    %mul3A_2 = arith.muli %add3A, %mul3A_1 : i32
    %scan3A = arith.constant 0 : i32
    %scan3A_3 = arith.constant 0 : i32
    %scan3A_4 = arith.constant 80 : i32
    %scan3A_5 = arith.addi %scan3A_3, %scan3A_4 : i32
    %scan3A_6 = arith.constant 1 : i32
    scf.for %scan3A_129 = %scan3A_3 to %scan3A_5 step %scan3A_6  : i32 {
      %broadcast_in_dim3A = arith.constant 0.000000e+00 : f32
      %broadcast_in_dim3A_130 = vector.broadcast %broadcast_in_dim3A : f32 to vector<16xf32>
      %swap3A = arith.index_cast %scan3A_129 : i32 to index
      %swap3A_131 = arith.constant 0 : index
      %swap3A_132 = tpu.vector_load %arg11[%swap3A, %swap3A_131] {strides = array<i32>} : memref<80x128xf32, #tpu.memory_space<vmem>>, vector<1x16xf32>,
      %swap3A_133 = vector.shape_cast %swap3A_132 : vector<1x16xf32> to vector<16xf32>
      %swap3A_134 = vector.shape_cast %broadcast_in_dim3A_130 : vector<16xf32> to vector<1x16xf32>
      tpu.vector_store %arg11[%swap3A, %swap3A_131], %swap3A_134 {strides = array<i32>} : memref<80x128xf32, #tpu.memory_space<vmem>>, vector<1x16xf32>,
      %broadcast_in_dim3A_135 = arith.constant 0.000000e+00 : f32
      %broadcast_in_dim3A_136 = vector.broadcast %broadcast_in_dim3A_135 : f32 to vector<16xf32>
      %swap3A_137 = arith.index_cast %scan3A_129 : i32 to index
      %swap3A_138 = arith.constant 16 : index
      %swap3A_139 = tpu.vector_load %arg11[%swap3A_137, %swap3A_138] {strides = array<i32>} : memref<80x128xf32, #tpu.memory_space<vmem>>, vector<1x16xf32>,
      %swap3A_140 = vector.shape_cast %swap3A_139 : vector<1x16xf32> to vector<16xf32>
      %swap3A_141 = vector.shape_cast %broadcast_in_dim3A_136 : vector<16xf32> to vector<1x16xf32>
      tpu.vector_store %arg11[%swap3A_137, %swap3A_138], %swap3A_141 {strides = array<i32>} : memref<80x128xf32, #tpu.memory_space<vmem>>, vector<1x16xf32>,
      %broadcast_in_dim3A_142 = arith.constant 0.000000e+00 : f32
      %broadcast_in_dim3A_143 = vector.broadcast %broadcast_in_dim3A_142 : f32 to vector<16xf32>
      %swap3A_144 = arith.index_cast %scan3A_129 : i32 to index
      %swap3A_145 = arith.constant 32 : index
      %swap3A_146 = tpu.vector_load %arg11[%swap3A_144, %swap3A_145] {strides = array<i32>} : memref<80x128xf32, #tpu.memory_space<vmem>>, vector<1x16xf32>,
      %swap3A_147 = vector.shape_cast %swap3A_146 : vector<1x16xf32> to vector<16xf32>
      %swap3A_148 = vector.shape_cast %broadcast_in_dim3A_143 : vector<16xf32> to vector<1x16xf32>
      tpu.vector_store %arg11[%swap3A_144, %swap3A_145], %swap3A_148 {strides = array<i32>} : memref<80x128xf32, #tpu.memory_space<vmem>>, vector<1x16xf32>,
      %broadcast_in_dim3A_149 = arith.constant 0.000000e+00 : f32
      %broadcast_in_dim3A_150 = vector.broadcast %broadcast_in_dim3A_149 : f32 to vector<16xf32>
      %swap3A_151 = arith.index_cast %scan3A_129 : i32 to index
      %swap3A_152 = arith.constant 48 : index
      %swap3A_153 = tpu.vector_load %arg11[%swap3A_151, %swap3A_152] {strides = array<i32>} : memref<80x128xf32, #tpu.memory_space<vmem>>, vector<1x16xf32>,
      %swap3A_154 = vector.shape_cast %swap3A_153 : vector<1x16xf32> to vector<16xf32>
      %swap3A_155 = vector.shape_cast %broadcast_in_dim3A_150 : vector<16xf32> to vector<1x16xf32>
      tpu.vector_store %arg11[%swap3A_151, %swap3A_152], %swap3A_155 {strides = array<i32>} : memref<80x128xf32, #tpu.memory_space<vmem>>, vector<1x16xf32>,
      %broadcast_in_dim3A_156 = arith.constant 0.000000e+00 : f32
      %broadcast_in_dim3A_157 = vector.broadcast %broadcast_in_dim3A_156 : f32 to vector<16xf32>
      %swap3A_158 = arith.index_cast %scan3A_129 : i32 to index
      %swap3A_159 = arith.constant 64 : index
      %swap3A_160 = tpu.vector_load %arg11[%swap3A_158, %swap3A_159] {strides = array<i32>} : memref<80x128xf32, #tpu.memory_space<vmem>>, vector<1x16xf32>,
      %swap3A_161 = vector.shape_cast %swap3A_160 : vector<1x16xf32> to vector<16xf32>
      %swap3A_162 = vector.shape_cast %broadcast_in_dim3A_157 : vector<16xf32> to vector<1x16xf32>
      tpu.vector_store %arg11[%swap3A_158, %swap3A_159], %swap3A_162 {strides = array<i32>} : memref<80x128xf32, #tpu.memory_space<vmem>>, vector<1x16xf32>,
      %broadcast_in_dim3A_163 = arith.constant 0.000000e+00 : f32
      %broadcast_in_dim3A_164 = vector.broadcast %broadcast_in_dim3A_163 : f32 to vector<16xf32>
      %swap3A_165 = arith.index_cast %scan3A_129 : i32 to index
      %swap3A_166 = arith.constant 80 : index
      %swap3A_167 = tpu.vector_load %arg11[%swap3A_165, %swap3A_166] {strides = array<i32>} : memref<80x128xf32, #tpu.memory_space<vmem>>, vector<1x16xf32>,
      %swap3A_168 = vector.shape_cast %swap3A_167 : vector<1x16xf32> to vector<16xf32>
      %swap3A_169 = vector.shape_cast %broadcast_in_dim3A_164 : vector<16xf32> to vector<1x16xf32>
      tpu.vector_store %arg11[%swap3A_165, %swap3A_166], %swap3A_169 {strides = array<i32>} : memref<80x128xf32, #tpu.memory_space<vmem>>, vector<1x16xf32>,
      %broadcast_in_dim3A_170 = arith.constant 0.000000e+00 : f32
      %broadcast_in_dim3A_171 = vector.broadcast %broadcast_in_dim3A_170 : f32 to vector<16xf32>
      %swap3A_172 = arith.index_cast %scan3A_129 : i32 to index
      %swap3A_173 = arith.constant 96 : index
      %swap3A_174 = tpu.vector_load %arg11[%swap3A_172, %swap3A_173] {strides = array<i32>} : memref<80x128xf32, #tpu.memory_space<vmem>>, vector<1x16xf32>,
      %swap3A_175 = vector.shape_cast %swap3A_174 : vector<1x16xf32> to vector<16xf32>
      %swap3A_176 = vector.shape_cast %broadcast_in_dim3A_171 : vector<16xf32> to vector<1x16xf32>
      tpu.vector_store %arg11[%swap3A_172, %swap3A_173], %swap3A_176 {strides = array<i32>} : memref<80x128xf32, #tpu.memory_space<vmem>>, vector<1x16xf32>,
      %broadcast_in_dim3A_177 = arith.constant 0.000000e+00 : f32
      %broadcast_in_dim3A_178 = vector.broadcast %broadcast_in_dim3A_177 : f32 to vector<16xf32>
      %swap3A_179 = arith.index_cast %scan3A_129 : i32 to index
      %swap3A_180 = arith.constant 112 : index
      %swap3A_181 = tpu.vector_load %arg11[%swap3A_179, %swap3A_180] {strides = array<i32>} : memref<80x128xf32, #tpu.memory_space<vmem>>, vector<1x16xf32>,
      %swap3A_182 = vector.shape_cast %swap3A_181 : vector<1x16xf32> to vector<16xf32>
      %swap3A_183 = vector.shape_cast %broadcast_in_dim3A_178 : vector<16xf32> to vector<1x16xf32>
      tpu.vector_store %arg11[%swap3A_179, %swap3A_180], %swap3A_183 {strides = array<i32>} : memref<80x128xf32, #tpu.memory_space<vmem>>, vector<1x16xf32>,
    }
    %scan3A_7 = arith.constant 80 : i32
    %mul3A_8 = arith.constant 625 : i32
    %mul3A_9 = arith.muli %arg1, %mul3A_8 : i32
    %add3A_10 = arith.constant 0 : i32
    %add3A_11 = arith.addi %mul3A_9, %add3A_10 : i32
    "tpu.region"() ({
      %run_scoped3A = tpu.sem_alloc : memref<!tpu.dma_semaphore, #tpu.memory_space<semaphore_mem>>
      %dma_start3A_129 = arith.constant 0 : i32
      %dma_start3A_130 = tpu.memref_slice %arg6[%add3A_11, %dma_start3A_129] : memref<10000x128xf32, #tpu.memory_space<vmem_shared>> -> memref<80x128xf32, #tpu.memory_space<vmem_shared>>
      %dma_start3A_131 = arith.constant 0 : i32
      %dma_start3A_132 = tpu.memref_slice %arg6[%add3A_11, %dma_start3A_131] : memref<10000x128xf32, #tpu.memory_space<vmem_shared>> -> memref<80x128xf32, #tpu.memory_space<vmem_shared>>
      tpu.enqueue_dma source(%arg11 : memref<80x128xf32, #tpu.memory_space<vmem>>) target(%dma_start3A_132 : memref<80x128xf32, #tpu.memory_space<vmem_shared>>) target_semaphore(%run_scoped3A : memref<!tpu.dma_semaphore, #tpu.memory_space<semaphore_mem>>)
      %dma_wait3A_133 = arith.constant 0 : i32
      %dma_wait3A_134 = tpu.memref_slice %arg6[%add3A_11, %dma_wait3A_133] : memref<10000x128xf32, #tpu.memory_space<vmem_shared>> -> memref<80x128xf32, #tpu.memory_space<vmem_shared>>
      %dma_wait3A_135 = arith.constant 0 : i32
      %dma_wait3A_136 = tpu.memref_slice %arg6[%add3A_11, %dma_wait3A_135] : memref<10000x128xf32, #tpu.memory_space<vmem_shared>> -> memref<80x128xf32, #tpu.memory_space<vmem_shared>>
      tpu.wait_dma2 semaphore(%run_scoped3A : memref<!tpu.dma_semaphore, #tpu.memory_space<semaphore_mem>>) src(%arg11 : memref<80x128xf32, #tpu.memory_space<vmem>>) dst(%dma_wait3A_136 : memref<80x128xf32, #tpu.memory_space<vmem_shared>>)
      tpu.yield
    }) : () -> ()
    %mul3A_12 = arith.constant 625 : i32
    %mul3A_13 = arith.muli %arg1, %mul3A_12 : i32
    %add3A_14 = arith.constant 80 : i32
    %add3A_15 = arith.addi %mul3A_13, %add3A_14 : i32
    "tpu.region"() ({
      %run_scoped3A = tpu.sem_alloc : memref<!tpu.dma_semaphore, #tpu.memory_space<semaphore_mem>>
      %dma_start3A_129 = arith.constant 0 : i32
      %dma_start3A_130 = tpu.memref_slice %arg6[%add3A_15, %dma_start3A_129] : memref<10000x128xf32, #tpu.memory_space<vmem_shared>> -> memref<80x128xf32, #tpu.memory_space<vmem_shared>>
      %dma_start3A_131 = arith.constant 0 : i32
      %dma_start3A_132 = tpu.memref_slice %arg6[%add3A_15, %dma_start3A_131] : memref<10000x128xf32, #tpu.memory_space<vmem_shared>> -> memref<80x128xf32, #tpu.memory_space<vmem_shared>>
      tpu.enqueue_dma source(%arg11 : memref<80x128xf32, #tpu.memory_space<vmem>>) target(%dma_start3A_132 : memref<80x128xf32, #tpu.memory_space<vmem_shared>>) target_semaphore(%run_scoped3A : memref<!tpu.dma_semaphore, #tpu.memory_space<semaphore_mem>>)
      %dma_wait3A_133 = arith.constant 0 : i32
      %dma_wait3A_134 = tpu.memref_slice %arg6[%add3A_15, %dma_wait3A_133] : memref<10000x128xf32, #tpu.memory_space<vmem_shared>> -> memref<80x128xf32, #tpu.memory_space<vmem_shared>>
      %dma_wait3A_135 = arith.constant 0 : i32
      %dma_wait3A_136 = tpu.memref_slice %arg6[%add3A_15, %dma_wait3A_135] : memref<10000x128xf32, #tpu.memory_space<vmem_shared>> -> memref<80x128xf32, #tpu.memory_space<vmem_shared>>
      tpu.wait_dma2 semaphore(%run_scoped3A : memref<!tpu.dma_semaphore, #tpu.memory_space<semaphore_mem>>) src(%arg11 : memref<80x128xf32, #tpu.memory_space<vmem>>) dst(%dma_wait3A_136 : memref<80x128xf32, #tpu.memory_space<vmem_shared>>)
      tpu.yield
    }) : () -> ()
    %mul3A_16 = arith.constant 625 : i32
    %mul3A_17 = arith.muli %arg1, %mul3A_16 : i32
    %add3A_18 = arith.constant 160 : i32
    %add3A_19 = arith.addi %mul3A_17, %add3A_18 : i32
    "tpu.region"() ({
      %run_scoped3A = tpu.sem_alloc : memref<!tpu.dma_semaphore, #tpu.memory_space<semaphore_mem>>
      %dma_start3A_129 = arith.constant 0 : i32
      %dma_start3A_130 = tpu.memref_slice %arg6[%add3A_19, %dma_start3A_129] : memref<10000x128xf32, #tpu.memory_space<vmem_shared>> -> memref<80x128xf32, #tpu.memory_space<vmem_shared>>
      %dma_start3A_131 = arith.constant 0 : i32
      %dma_start3A_132 = tpu.memref_slice %arg6[%add3A_19, %dma_start3A_131] : memref<10000x128xf32, #tpu.memory_space<vmem_shared>> -> memref<80x128xf32, #tpu.memory_space<vmem_shared>>
      tpu.enqueue_dma source(%arg11 : memref<80x128xf32, #tpu.memory_space<vmem>>) target(%dma_start3A_132 : memref<80x128xf32, #tpu.memory_space<vmem_shared>>) target_semaphore(%run_scoped3A : memref<!tpu.dma_semaphore, #tpu.memory_space<semaphore_mem>>)
      %dma_wait3A_133 = arith.constant 0 : i32
      %dma_wait3A_134 = tpu.memref_slice %arg6[%add3A_19, %dma_wait3A_133] : memref<10000x128xf32, #tpu.memory_space<vmem_shared>> -> memref<80x128xf32, #tpu.memory_space<vmem_shared>>
      %dma_wait3A_135 = arith.constant 0 : i32
      %dma_wait3A_136 = tpu.memref_slice %arg6[%add3A_19, %dma_wait3A_135] : memref<10000x128xf32, #tpu.memory_space<vmem_shared>> -> memref<80x128xf32, #tpu.memory_space<vmem_shared>>
      tpu.wait_dma2 semaphore(%run_scoped3A : memref<!tpu.dma_semaphore, #tpu.memory_space<semaphore_mem>>) src(%arg11 : memref<80x128xf32, #tpu.memory_space<vmem>>) dst(%dma_wait3A_136 : memref<80x128xf32, #tpu.memory_space<vmem_shared>>)
      tpu.yield
    }) : () -> ()
    %mul3A_20 = arith.constant 625 : i32
    %mul3A_21 = arith.muli %arg1, %mul3A_20 : i32
    %add3A_22 = arith.constant 240 : i32
    %add3A_23 = arith.addi %mul3A_21, %add3A_22 : i32
    "tpu.region"() ({
      %run_scoped3A = tpu.sem_alloc : memref<!tpu.dma_semaphore, #tpu.memory_space<semaphore_mem>>
      %dma_start3A_129 = arith.constant 0 : i32
      %dma_start3A_130 = tpu.memref_slice %arg6[%add3A_23, %dma_start3A_129] : memref<10000x128xf32, #tpu.memory_space<vmem_shared>> -> memref<80x128xf32, #tpu.memory_space<vmem_shared>>
      %dma_start3A_131 = arith.constant 0 : i32
      %dma_start3A_132 = tpu.memref_slice %arg6[%add3A_23, %dma_start3A_131] : memref<10000x128xf32, #tpu.memory_space<vmem_shared>> -> memref<80x128xf32, #tpu.memory_space<vmem_shared>>
      tpu.enqueue_dma source(%arg11 : memref<80x128xf32, #tpu.memory_space<vmem>>) target(%dma_start3A_132 : memref<80x128xf32, #tpu.memory_space<vmem_shared>>) target_semaphore(%run_scoped3A : memref<!tpu.dma_semaphore, #tpu.memory_space<semaphore_mem>>)
      %dma_wait3A_133 = arith.constant 0 : i32
      %dma_wait3A_134 = tpu.memref_slice %arg6[%add3A_23, %dma_wait3A_133] : memref<10000x128xf32, #tpu.memory_space<vmem_shared>> -> memref<80x128xf32, #tpu.memory_space<vmem_shared>>
      %dma_wait3A_135 = arith.constant 0 : i32
      %dma_wait3A_136 = tpu.memref_slice %arg6[%add3A_23, %dma_wait3A_135] : memref<10000x128xf32, #tpu.memory_space<vmem_shared>> -> memref<80x128xf32, #tpu.memory_space<vmem_shared>>
      tpu.wait_dma2 semaphore(%run_scoped3A : memref<!tpu.dma_semaphore, #tpu.memory_space<semaphore_mem>>) src(%arg11 : memref<80x128xf32, #tpu.memory_space<vmem>>) dst(%dma_wait3A_136 : memref<80x128xf32, #tpu.memory_space<vmem_shared>>)
      tpu.yield
    }) : () -> ()
    %mul3A_24 = arith.constant 625 : i32
    %mul3A_25 = arith.muli %arg1, %mul3A_24 : i32
    %add3A_26 = arith.constant 320 : i32
    %add3A_27 = arith.addi %mul3A_25, %add3A_26 : i32
    "tpu.region"() ({
      %run_scoped3A = tpu.sem_alloc : memref<!tpu.dma_semaphore, #tpu.memory_space<semaphore_mem>>
      %dma_start3A_129 = arith.constant 0 : i32
      %dma_start3A_130 = tpu.memref_slice %arg6[%add3A_27, %dma_start3A_129] : memref<10000x128xf32, #tpu.memory_space<vmem_shared>> -> memref<80x128xf32, #tpu.memory_space<vmem_shared>>
      %dma_start3A_131 = arith.constant 0 : i32
      %dma_start3A_132 = tpu.memref_slice %arg6[%add3A_27, %dma_start3A_131] : memref<10000x128xf32, #tpu.memory_space<vmem_shared>> -> memref<80x128xf32, #tpu.memory_space<vmem_shared>>
      tpu.enqueue_dma source(%arg11 : memref<80x128xf32, #tpu.memory_space<vmem>>) target(%dma_start3A_132 : memref<80x128xf32, #tpu.memory_space<vmem_shared>>) target_semaphore(%run_scoped3A : memref<!tpu.dma_semaphore, #tpu.memory_space<semaphore_mem>>)
      %dma_wait3A_133 = arith.constant 0 : i32
      %dma_wait3A_134 = tpu.memref_slice %arg6[%add3A_27, %dma_wait3A_133] : memref<10000x128xf32, #tpu.memory_space<vmem_shared>> -> memref<80x128xf32, #tpu.memory_space<vmem_shared>>
      %dma_wait3A_135 = arith.constant 0 : i32
      %dma_wait3A_136 = tpu.memref_slice %arg6[%add3A_27, %dma_wait3A_135] : memref<10000x128xf32, #tpu.memory_space<vmem_shared>> -> memref<80x128xf32, #tpu.memory_space<vmem_shared>>
      tpu.wait_dma2 semaphore(%run_scoped3A : memref<!tpu.dma_semaphore, #tpu.memory_space<semaphore_mem>>) src(%arg11 : memref<80x128xf32, #tpu.memory_space<vmem>>) dst(%dma_wait3A_136 : memref<80x128xf32, #tpu.memory_space<vmem_shared>>)
      tpu.yield
    }) : () -> ()
    %mul3A_28 = arith.constant 625 : i32
    %mul3A_29 = arith.muli %arg1, %mul3A_28 : i32
    %add3A_30 = arith.constant 400 : i32
    %add3A_31 = arith.addi %mul3A_29, %add3A_30 : i32
    "tpu.region"() ({
      %run_scoped3A = tpu.sem_alloc : memref<!tpu.dma_semaphore, #tpu.memory_space<semaphore_mem>>
      %dma_start3A_129 = arith.constant 0 : i32
      %dma_start3A_130 = tpu.memref_slice %arg6[%add3A_31, %dma_start3A_129] : memref<10000x128xf32, #tpu.memory_space<vmem_shared>> -> memref<80x128xf32, #tpu.memory_space<vmem_shared>>
      %dma_start3A_131 = arith.constant 0 : i32
      %dma_start3A_132 = tpu.memref_slice %arg6[%add3A_31, %dma_start3A_131] : memref<10000x128xf32, #tpu.memory_space<vmem_shared>> -> memref<80x128xf32, #tpu.memory_space<vmem_shared>>
      tpu.enqueue_dma source(%arg11 : memref<80x128xf32, #tpu.memory_space<vmem>>) target(%dma_start3A_132 : memref<80x128xf32, #tpu.memory_space<vmem_shared>>) target_semaphore(%run_scoped3A : memref<!tpu.dma_semaphore, #tpu.memory_space<semaphore_mem>>)
      %dma_wait3A_133 = arith.constant 0 : i32
      %dma_wait3A_134 = tpu.memref_slice %arg6[%add3A_31, %dma_wait3A_133] : memref<10000x128xf32, #tpu.memory_space<vmem_shared>> -> memref<80x128xf32, #tpu.memory_space<vmem_shared>>
      %dma_wait3A_135 = arith.constant 0 : i32
      %dma_wait3A_136 = tpu.memref_slice %arg6[%add3A_31, %dma_wait3A_135] : memref<10000x128xf32, #tpu.memory_space<vmem_shared>> -> memref<80x128xf32, #tpu.memory_space<vmem_shared>>
      tpu.wait_dma2 semaphore(%run_scoped3A : memref<!tpu.dma_semaphore, #tpu.memory_space<semaphore_mem>>) src(%arg11 : memref<80x128xf32, #tpu.memory_space<vmem>>) dst(%dma_wait3A_136 : memref<80x128xf32, #tpu.memory_space<vmem_shared>>)
      tpu.yield
    }) : () -> ()
    %mul3A_32 = arith.constant 625 : i32
    %mul3A_33 = arith.muli %arg1, %mul3A_32 : i32
    %add3A_34 = arith.constant 480 : i32
    %add3A_35 = arith.addi %mul3A_33, %add3A_34 : i32
    "tpu.region"() ({
      %run_scoped3A = tpu.sem_alloc : memref<!tpu.dma_semaphore, #tpu.memory_space<semaphore_mem>>
      %dma_start3A_129 = arith.constant 0 : i32
      %dma_start3A_130 = tpu.memref_slice %arg6[%add3A_35, %dma_start3A_129] : memref<10000x128xf32, #tpu.memory_space<vmem_shared>> -> memref<80x128xf32, #tpu.memory_space<vmem_shared>>
      %dma_start3A_131 = arith.constant 0 : i32
      %dma_start3A_132 = tpu.memref_slice %arg6[%add3A_35, %dma_start3A_131] : memref<10000x128xf32, #tpu.memory_space<vmem_shared>> -> memref<80x128xf32, #tpu.memory_space<vmem_shared>>
      tpu.enqueue_dma source(%arg11 : memref<80x128xf32, #tpu.memory_space<vmem>>) target(%dma_start3A_132 : memref<80x128xf32, #tpu.memory_space<vmem_shared>>) target_semaphore(%run_scoped3A : memref<!tpu.dma_semaphore, #tpu.memory_space<semaphore_mem>>)
      %dma_wait3A_133 = arith.constant 0 : i32
      %dma_wait3A_134 = tpu.memref_slice %arg6[%add3A_35, %dma_wait3A_133] : memref<10000x128xf32, #tpu.memory_space<vmem_shared>> -> memref<80x128xf32, #tpu.memory_space<vmem_shared>>
      %dma_wait3A_135 = arith.constant 0 : i32
      %dma_wait3A_136 = tpu.memref_slice %arg6[%add3A_35, %dma_wait3A_135] : memref<10000x128xf32, #tpu.memory_space<vmem_shared>> -> memref<80x128xf32, #tpu.memory_space<vmem_shared>>
      tpu.wait_dma2 semaphore(%run_scoped3A : memref<!tpu.dma_semaphore, #tpu.memory_space<semaphore_mem>>) src(%arg11 : memref<80x128xf32, #tpu.memory_space<vmem>>) dst(%dma_wait3A_136 : memref<80x128xf32, #tpu.memory_space<vmem_shared>>)
      tpu.yield
    }) : () -> ()
    %mul3A_36 = arith.constant 625 : i32
    %mul3A_37 = arith.muli %arg1, %mul3A_36 : i32
    %add3A_38 = arith.constant 560 : i32
    %add3A_39 = arith.addi %mul3A_37, %add3A_38 : i32
    "tpu.region"() ({
      %run_scoped3A = tpu.sem_alloc : memref<!tpu.dma_semaphore, #tpu.memory_space<semaphore_mem>>
      %dma_start3A_129 = arith.constant 0 : i32
      %dma_start3A_130 = arith.constant 0 : i32
      %dma_start3A_131 = tpu.memref_slice %arg11[%dma_start3A_129, %dma_start3A_130] : memref<80x128xf32, #tpu.memory_space<vmem>> -> memref<65x128xf32, #tpu.memory_space<vmem>>
      %dma_start3A_132 = arith.constant 0 : i32
      %dma_start3A_133 = tpu.memref_slice %arg6[%add3A_39, %dma_start3A_132] : memref<10000x128xf32, #tpu.memory_space<vmem_shared>> -> memref<65x128xf32, #tpu.memory_space<vmem_shared>>
      %dma_start3A_134 = arith.constant 0 : i32
      %dma_start3A_135 = tpu.memref_slice %arg6[%add3A_39, %dma_start3A_134] : memref<10000x128xf32, #tpu.memory_space<vmem_shared>> -> memref<65x128xf32, #tpu.memory_space<vmem_shared>>
      %dma_start3A_136 = arith.constant 0 : i32
      %dma_start3A_137 = arith.constant 0 : i32
      %dma_start3A_138 = tpu.memref_slice %arg11[%dma_start3A_136, %dma_start3A_137] : memref<80x128xf32, #tpu.memory_space<vmem>> -> memref<65x128xf32, #tpu.memory_space<vmem>>
      tpu.enqueue_dma source(%dma_start3A_138 : memref<65x128xf32, #tpu.memory_space<vmem>>) target(%dma_start3A_135 : memref<65x128xf32, #tpu.memory_space<vmem_shared>>) target_semaphore(%run_scoped3A : memref<!tpu.dma_semaphore, #tpu.memory_space<semaphore_mem>>)
      %dma_wait3A_139 = arith.constant 0 : i32
      %dma_wait3A_140 = arith.constant 0 : i32
      %dma_wait3A_141 = tpu.memref_slice %arg11[%dma_wait3A_139, %dma_wait3A_140] : memref<80x128xf32, #tpu.memory_space<vmem>> -> memref<65x128xf32, #tpu.memory_space<vmem>>
      %dma_wait3A_142 = arith.constant 0 : i32
      %dma_wait3A_143 = tpu.memref_slice %arg6[%add3A_39, %dma_wait3A_142] : memref<10000x128xf32, #tpu.memory_space<vmem_shared>> -> memref<65x128xf32, #tpu.memory_space<vmem_shared>>
      %dma_wait3A_144 = arith.constant 0 : i32
      %dma_wait3A_145 = tpu.memref_slice %arg6[%add3A_39, %dma_wait3A_144] : memref<10000x128xf32, #tpu.memory_space<vmem_shared>> -> memref<65x128xf32, #tpu.memory_space<vmem_shared>>
      %dma_wait3A_146 = arith.constant 0 : i32
      %dma_wait3A_147 = arith.constant 0 : i32
      %dma_wait3A_148 = tpu.memref_slice %arg11[%dma_wait3A_146, %dma_wait3A_147] : memref<80x128xf32, #tpu.memory_space<vmem>> -> memref<65x128xf32, #tpu.memory_space<vmem>>
      tpu.wait_dma2 semaphore(%run_scoped3A : memref<!tpu.dma_semaphore, #tpu.memory_space<semaphore_mem>>) src(%dma_wait3A_148 : memref<65x128xf32, #tpu.memory_space<vmem>>) dst(%dma_wait3A_145 : memref<65x128xf32, #tpu.memory_space<vmem_shared>>)
      tpu.yield
    }) : () -> ()
    %barrier3A = arith.constant 0 : index
    tpu.barrier barrier_id(%barrier3A)
    "tpu.region"() ({
      %run_scoped3A = tpu.sem_alloc : memref<!tpu.dma_semaphore, #tpu.memory_space<semaphore_mem>>
      %dma_start3A_129 = tpu.memref_slice %arg3[%mul3A_2] : memref<640000xi32, #tpu.memory_space<hbm>> -> memref<10000xi32, #tpu.memory_space<hbm>>
      %dma_start3A_130 = tpu.memref_slice %arg3[%mul3A_2] : memref<640000xi32, #tpu.memory_space<hbm>> -> memref<10000xi32, #tpu.memory_space<hbm>>
      tpu.enqueue_dma source(%dma_start3A_130 : memref<10000xi32, #tpu.memory_space<hbm>>) target(%arg8 : memref<10000xi32, #tpu.memory_space<vmem>>) target_semaphore(%run_scoped3A : memref<!tpu.dma_semaphore, #tpu.memory_space<semaphore_mem>>)
      %dma_wait3A_131 = tpu.memref_slice %arg3[%mul3A_2] : memref<640000xi32, #tpu.memory_space<hbm>> -> memref<10000xi32, #tpu.memory_space<hbm>>
      %dma_wait3A_132 = tpu.memref_slice %arg3[%mul3A_2] : memref<640000xi32, #tpu.memory_space<hbm>> -> memref<10000xi32, #tpu.memory_space<hbm>>
      tpu.wait_dma2 semaphore(%run_scoped3A : memref<!tpu.dma_semaphore, #tpu.memory_space<semaphore_mem>>) src(%dma_wait3A_132 : memref<10000xi32, #tpu.memory_space<hbm>>) dst(%arg8 : memref<10000xi32, #tpu.memory_space<vmem>>)
      tpu.yield
    }) : () -> ()
    %add3A_40 = arith.constant 320000 : i32
    %add3A_41 = arith.addi %add3A_40, %mul3A_2 : i32
    %add3A_42 = arith.constant 0 : i32
    %add3A_43 = arith.addi %add3A_41, %add3A_42 : i32
    %dma_start3A = tpu.memref_slice %arg3[%add3A_43] : memref<640000xi32, #tpu.memory_space<hbm>> -> memref<80xi32, #tpu.memory_space<hbm>>
    %dma_start3A_44 = tpu.memref_slice %arg3[%add3A_43] : memref<640000xi32, #tpu.memory_space<hbm>> -> memref<80xi32, #tpu.memory_space<hbm>>
    tpu.enqueue_dma source(%dma_start3A_44 : memref<80xi32, #tpu.memory_space<hbm>>) target(%arg9 : memref<80xi32, #tpu.memory_space<vmem>>) target_semaphore(%arg21 : memref<!tpu.dma_semaphore, #tpu.memory_space<semaphore_mem>>)
    %dma_start3A_45 = arith.constant 0 : i32
    %dma_start3A_46 = tpu.memref_slice %arg8[%dma_start3A_45] : memref<10000xi32, #tpu.memory_space<vmem>> -> memref<80xi32, #tpu.memory_space<vmem>>
    %dma_start3A_47 = arith.constant 0 : i32
    %dma_start3A_48 = arith.constant 0 : i32
    %dma_start3A_49 = tpu.memref_slice %arg2[%dma_start3A_47, %dma_start3A_48] : memref<10000x128xf32, #tpu.memory_space<hbm>> -> memref<10000x128xf32, #tpu.memory_space<hbm>>
    tpu.enqueue_indirect_dma source(%dma_start3A_49 : memref<10000x128xf32, #tpu.memory_space<hbm>>) target(%arg11 : memref<80x128xf32, #tpu.memory_space<vmem>>) offsets(%dma_start3A_46 : memref<80xi32, #tpu.memory_space<vmem>>) semaphore(%arg15 : memref<!tpu.dma_semaphore, #tpu.memory_space<semaphore_mem>>)
    %dma_wait3A = arith.constant 0 : i32
    %dma_wait3A_50 = tpu.memref_slice %arg8[%dma_wait3A] : memref<10000xi32, #tpu.memory_space<vmem>> -> memref<80xi32, #tpu.memory_space<vmem>>
    %dma_wait3A_51 = arith.constant 0 : i32
    %dma_wait3A_52 = arith.constant 0 : i32
    %dma_wait3A_53 = tpu.memref_slice %arg2[%dma_wait3A_51, %dma_wait3A_52] : memref<10000x128xf32, #tpu.memory_space<hbm>> -> memref<10000x128xf32, #tpu.memory_space<hbm>>
    tpu.wait_indirect_dma semaphore(%arg15 : memref<!tpu.dma_semaphore, #tpu.memory_space<semaphore_mem>>) src(%dma_wait3A_53 : memref<10000x128xf32, #tpu.memory_space<hbm>>) dst(%arg11 : memref<80x128xf32, #tpu.memory_space<vmem>>)
    %dma_wait3A_54 = arith.constant 0 : i32
    %dma_wait3A_55 = tpu.memref_slice %arg3[%dma_wait3A_54] : memref<640000xi32, #tpu.memory_space<hbm>> -> memref<80xi32, #tpu.memory_space<hbm>>
    %dma_wait3A_56 = arith.constant 0 : i32
    %dma_wait3A_57 = tpu.memref_slice %arg3[%dma_wait3A_56] : memref<640000xi32, #tpu.memory_space<hbm>> -> memref<80xi32, #tpu.memory_space<hbm>>
    tpu.wait_dma2 semaphore(%arg21 : memref<!tpu.dma_semaphore, #tpu.memory_space<semaphore_mem>>) src(%dma_wait3A_57 : memref<80xi32, #tpu.memory_space<hbm>>) dst(%arg9 : memref<80xi32, #tpu.memory_space<vmem>>)
    %dma_start3A_58 = arith.constant 0 : i32
    %dma_start3A_59 = arith.constant 0 : i32
    %dma_start3A_60 = tpu.memref_slice %arg6[%dma_start3A_58, %dma_start3A_59] : memref<10000x128xf32, #tpu.memory_space<vmem_shared>> -> memref<10000x128xf32, #tpu.memory_space<vmem_shared>>
    tpu.enqueue_indirect_dma source(%arg11 : memref<80x128xf32, #tpu.memory_space<vmem>>) target(%dma_start3A_60 : memref<10000x128xf32, #tpu.memory_space<vmem_shared>>) offsets(%arg9 : memref<80xi32, #tpu.memory_space<vmem>>) semaphore(%arg17 : memref<!tpu.dma_semaphore, #tpu.memory_space<semaphore_mem>>) {add = true}
    %add3A_61 = arith.constant 320000 : i32
    %add3A_62 = arith.addi %add3A_61, %mul3A_2 : i32
    %add3A_63 = arith.constant 80 : i32
    %add3A_64 = arith.addi %add3A_62, %add3A_63 : i32
    %dma_start3A_65 = tpu.memref_slice %arg3[%add3A_64] : memref<640000xi32, #tpu.memory_space<hbm>> -> memref<80xi32, #tpu.memory_space<hbm>>
    %dma_start3A_66 = tpu.memref_slice %arg3[%add3A_64] : memref<640000xi32, #tpu.memory_space<hbm>> -> memref<80xi32, #tpu.memory_space<hbm>>
    tpu.enqueue_dma source(%dma_start3A_66 : memref<80xi32, #tpu.memory_space<hbm>>) target(%arg10 : memref<80xi32, #tpu.memory_space<vmem>>) target_semaphore(%arg22 : memref<!tpu.dma_semaphore, #tpu.memory_space<semaphore_mem>>)
    %dma_start3A_67 = arith.constant 80 : i32
    %dma_start3A_68 = tpu.memref_slice %arg8[%dma_start3A_67] : memref<10000xi32, #tpu.memory_space<vmem>> -> memref<80xi32, #tpu.memory_space<vmem>>
    %dma_start3A_69 = arith.constant 0 : i32
    %dma_start3A_70 = arith.constant 0 : i32
    %dma_start3A_71 = tpu.memref_slice %arg2[%dma_start3A_69, %dma_start3A_70] : memref<10000x128xf32, #tpu.memory_space<hbm>> -> memref<10000x128xf32, #tpu.memory_space<hbm>>
    tpu.enqueue_indirect_dma source(%dma_start3A_71 : memref<10000x128xf32, #tpu.memory_space<hbm>>) target(%arg12 : memref<80x128xf32, #tpu.memory_space<vmem>>) offsets(%dma_start3A_68 : memref<80xi32, #tpu.memory_space<vmem>>) semaphore(%arg16 : memref<!tpu.dma_semaphore, #tpu.memory_space<semaphore_mem>>)
    %scan3A_72 = arith.constant 0 : i32
    %scan3A_73 = arith.constant 0 : i32
    %scan3A_74 = arith.constant 61 : i32
    %scan3A_75 = arith.addi %scan3A_73, %scan3A_74 : i32
    %scan3A_76 = arith.constant 1 : i32
    scf.for %scan3A_129 = %scan3A_73 to %scan3A_75 step %scan3A_76  : i32 {
      %mul3A_130 = arith.constant 2 : i32
      %mul3A_131 = arith.muli %mul3A_130, %scan3A_129 : i32
      %add3A_132 = arith.constant 1 : i32
      %add3A_133 = arith.addi %mul3A_131, %add3A_132 : i32
      %dma_wait3A_134 = arith.constant 0 : i32
      %dma_wait3A_135 = tpu.memref_slice %arg8[%dma_wait3A_134] : memref<10000xi32, #tpu.memory_space<vmem>> -> memref<80xi32, #tpu.memory_space<vmem>>
      %dma_wait3A_136 = arith.constant 0 : i32
      %dma_wait3A_137 = arith.constant 0 : i32
      %dma_wait3A_138 = tpu.memref_slice %arg2[%dma_wait3A_136, %dma_wait3A_137] : memref<10000x128xf32, #tpu.memory_space<hbm>> -> memref<10000x128xf32, #tpu.memory_space<hbm>>
      tpu.wait_indirect_dma semaphore(%arg16 : memref<!tpu.dma_semaphore, #tpu.memory_space<semaphore_mem>>) src(%dma_wait3A_138 : memref<10000x128xf32, #tpu.memory_space<hbm>>) dst(%arg12 : memref<80x128xf32, #tpu.memory_space<vmem>>)
      %dma_wait3A_139 = arith.constant 0 : i32
      %dma_wait3A_140 = tpu.memref_slice %arg3[%dma_wait3A_139] : memref<640000xi32, #tpu.memory_space<hbm>> -> memref<80xi32, #tpu.memory_space<hbm>>
      %dma_wait3A_141 = arith.constant 0 : i32
      %dma_wait3A_142 = tpu.memref_slice %arg3[%dma_wait3A_141] : memref<640000xi32, #tpu.memory_space<hbm>> -> memref<80xi32, #tpu.memory_space<hbm>>
      tpu.wait_dma2 semaphore(%arg22 : memref<!tpu.dma_semaphore, #tpu.memory_space<semaphore_mem>>) src(%dma_wait3A_142 : memref<80xi32, #tpu.memory_space<hbm>>) dst(%arg10 : memref<80xi32, #tpu.memory_space<vmem>>)
      %dma_start3A_143 = arith.constant 0 : i32
      %dma_start3A_144 = arith.constant 0 : i32
      %dma_start3A_145 = tpu.memref_slice %arg6[%dma_start3A_143, %dma_start3A_144] : memref<10000x128xf32, #tpu.memory_space<vmem_shared>> -> memref<10000x128xf32, #tpu.memory_space<vmem_shared>>
      tpu.enqueue_indirect_dma source(%arg12 : memref<80x128xf32, #tpu.memory_space<vmem>>) target(%dma_start3A_145 : memref<10000x128xf32, #tpu.memory_space<vmem_shared>>) offsets(%arg10 : memref<80xi32, #tpu.memory_space<vmem>>) semaphore(%arg18 : memref<!tpu.dma_semaphore, #tpu.memory_space<semaphore_mem>>) {add = true}
      %dma_wait3A_146 = arith.constant 0 : i32
      %dma_wait3A_147 = arith.constant 0 : i32
      %dma_wait3A_148 = tpu.memref_slice %arg6[%dma_wait3A_146, %dma_wait3A_147] : memref<10000x128xf32, #tpu.memory_space<vmem_shared>> -> memref<10000x128xf32, #tpu.memory_space<vmem_shared>>
      tpu.wait_indirect_dma semaphore(%arg17 : memref<!tpu.dma_semaphore, #tpu.memory_space<semaphore_mem>>) src(%arg11 : memref<80x128xf32, #tpu.memory_space<vmem>>) dst(%dma_wait3A_148 : memref<10000x128xf32, #tpu.memory_space<vmem_shared>>)
      %add3A_149 = arith.constant 1 : i32
      %add3A_150 = arith.addi %add3A_133, %add3A_149 : i32
      %add3A_151 = arith.constant 320000 : i32
      %add3A_152 = arith.addi %add3A_151, %mul3A_2 : i32
      %mul3A_153 = arith.constant 80 : i32
      %mul3A_154 = arith.muli %add3A_150, %mul3A_153 : i32
      %add3A_155 = arith.addi %add3A_152, %mul3A_154 : i32
      %dma_start3A_156 = tpu.memref_slice %arg3[%add3A_155] : memref<640000xi32, #tpu.memory_space<hbm>> -> memref<80xi32, #tpu.memory_space<hbm>>
      %dma_start3A_157 = tpu.memref_slice %arg3[%add3A_155] : memref<640000xi32, #tpu.memory_space<hbm>> -> memref<80xi32, #tpu.memory_space<hbm>>
      tpu.enqueue_dma source(%dma_start3A_157 : memref<80xi32, #tpu.memory_space<hbm>>) target(%arg9 : memref<80xi32, #tpu.memory_space<vmem>>) target_semaphore(%arg21 : memref<!tpu.dma_semaphore, #tpu.memory_space<semaphore_mem>>)
      %add3A_158 = arith.constant 1 : i32
      %add3A_159 = arith.addi %add3A_133, %add3A_158 : i32
      %mul3A_160 = arith.constant 80 : i32
      %mul3A_161 = arith.muli %add3A_159, %mul3A_160 : i32
      %dma_start3A_162 = tpu.memref_slice %arg8[%mul3A_161] : memref<10000xi32, #tpu.memory_space<vmem>> -> memref<80xi32, #tpu.memory_space<vmem>>
      %dma_start3A_163 = arith.constant 0 : i32
      %dma_start3A_164 = arith.constant 0 : i32
      %dma_start3A_165 = tpu.memref_slice %arg2[%dma_start3A_163, %dma_start3A_164] : memref<10000x128xf32, #tpu.memory_space<hbm>> -> memref<10000x128xf32, #tpu.memory_space<hbm>>
      tpu.enqueue_indirect_dma source(%dma_start3A_165 : memref<10000x128xf32, #tpu.memory_space<hbm>>) target(%arg11 : memref<80x128xf32, #tpu.memory_space<vmem>>) offsets(%dma_start3A_162 : memref<80xi32, #tpu.memory_space<vmem>>) semaphore(%arg15 : memref<!tpu.dma_semaphore, #tpu.memory_space<semaphore_mem>>)
      %add3A_166 = arith.constant 1 : i32
      %add3A_167 = arith.addi %add3A_133, %add3A_166 : i32
      %dma_wait3A_168 = arith.constant 0 : i32
      %dma_wait3A_169 = tpu.memref_slice %arg8[%dma_wait3A_168] : memref<10000xi32, #tpu.memory_space<vmem>> -> memref<80xi32, #tpu.memory_space<vmem>>
      %dma_wait3A_170 = arith.constant 0 : i32
      %dma_wait3A_171 = arith.constant 0 : i32
      %dma_wait3A_172 = tpu.memref_slice %arg2[%dma_wait3A_170, %dma_wait3A_171] : memref<10000x128xf32, #tpu.memory_space<hbm>> -> memref<10000x128xf32, #tpu.memory_space<hbm>>
      tpu.wait_indirect_dma semaphore(%arg15 : memref<!tpu.dma_semaphore, #tpu.memory_space<semaphore_mem>>) src(%dma_wait3A_172 : memref<10000x128xf32, #tpu.memory_space<hbm>>) dst(%arg11 : memref<80x128xf32, #tpu.memory_space<vmem>>)
      %dma_wait3A_173 = arith.constant 0 : i32
      %dma_wait3A_174 = tpu.memref_slice %arg3[%dma_wait3A_173] : memref<640000xi32, #tpu.memory_space<hbm>> -> memref<80xi32, #tpu.memory_space<hbm>>
      %dma_wait3A_175 = arith.constant 0 : i32
      %dma_wait3A_176 = tpu.memref_slice %arg3[%dma_wait3A_175] : memref<640000xi32, #tpu.memory_space<hbm>> -> memref<80xi32, #tpu.memory_space<hbm>>
      tpu.wait_dma2 semaphore(%arg21 : memref<!tpu.dma_semaphore, #tpu.memory_space<semaphore_mem>>) src(%dma_wait3A_176 : memref<80xi32, #tpu.memory_space<hbm>>) dst(%arg9 : memref<80xi32, #tpu.memory_space<vmem>>)
      %dma_start3A_177 = arith.constant 0 : i32
      %dma_start3A_178 = arith.constant 0 : i32
      %dma_start3A_179 = tpu.memref_slice %arg6[%dma_start3A_177, %dma_start3A_178] : memref<10000x128xf32, #tpu.memory_space<vmem_shared>> -> memref<10000x128xf32, #tpu.memory_space<vmem_shared>>
      tpu.enqueue_indirect_dma source(%arg11 : memref<80x128xf32, #tpu.memory_space<vmem>>) target(%dma_start3A_179 : memref<10000x128xf32, #tpu.memory_space<vmem_shared>>) offsets(%arg9 : memref<80xi32, #tpu.memory_space<vmem>>) semaphore(%arg17 : memref<!tpu.dma_semaphore, #tpu.memory_space<semaphore_mem>>) {add = true}
      %dma_wait3A_180 = arith.constant 0 : i32
      %dma_wait3A_181 = arith.constant 0 : i32
      %dma_wait3A_182 = tpu.memref_slice %arg6[%dma_wait3A_180, %dma_wait3A_181] : memref<10000x128xf32, #tpu.memory_space<vmem_shared>> -> memref<10000x128xf32, #tpu.memory_space<vmem_shared>>
      tpu.wait_indirect_dma semaphore(%arg18 : memref<!tpu.dma_semaphore, #tpu.memory_space<semaphore_mem>>) src(%arg12 : memref<80x128xf32, #tpu.memory_space<vmem>>) dst(%dma_wait3A_182 : memref<10000x128xf32, #tpu.memory_space<vmem_shared>>)
      %add3A_183 = arith.constant 1 : i32
      %add3A_184 = arith.addi %add3A_167, %add3A_183 : i32
      %add3A_185 = arith.constant 320000 : i32
      %add3A_186 = arith.addi %add3A_185, %mul3A_2 : i32
      %mul3A_187 = arith.constant 80 : i32
      %mul3A_188 = arith.muli %add3A_184, %mul3A_187 : i32
      %add3A_189 = arith.addi %add3A_186, %mul3A_188 : i32
      %dma_start3A_190 = tpu.memref_slice %arg3[%add3A_189] : memref<640000xi32, #tpu.memory_space<hbm>> -> memref<80xi32, #tpu.memory_space<hbm>>
      %dma_start3A_191 = tpu.memref_slice %arg3[%add3A_189] : memref<640000xi32, #tpu.memory_space<hbm>> -> memref<80xi32, #tpu.memory_space<hbm>>
      tpu.enqueue_dma source(%dma_start3A_191 : memref<80xi32, #tpu.memory_space<hbm>>) target(%arg10 : memref<80xi32, #tpu.memory_space<vmem>>) target_semaphore(%arg22 : memref<!tpu.dma_semaphore, #tpu.memory_space<semaphore_mem>>)
      %add3A_192 = arith.constant 1 : i32
      %add3A_193 = arith.addi %add3A_167, %add3A_192 : i32
      %mul3A_194 = arith.constant 80 : i32
      %mul3A_195 = arith.muli %add3A_193, %mul3A_194 : i32
      %dma_start3A_196 = tpu.memref_slice %arg8[%mul3A_195] : memref<10000xi32, #tpu.memory_space<vmem>> -> memref<80xi32, #tpu.memory_space<vmem>>
      %dma_start3A_197 = arith.constant 0 : i32
      %dma_start3A_198 = arith.constant 0 : i32
      %dma_start3A_199 = tpu.memref_slice %arg2[%dma_start3A_197, %dma_start3A_198] : memref<10000x128xf32, #tpu.memory_space<hbm>> -> memref<10000x128xf32, #tpu.memory_space<hbm>>
      tpu.enqueue_indirect_dma source(%dma_start3A_199 : memref<10000x128xf32, #tpu.memory_space<hbm>>) target(%arg12 : memref<80x128xf32, #tpu.memory_space<vmem>>) offsets(%dma_start3A_196 : memref<80xi32, #tpu.memory_space<vmem>>) semaphore(%arg16 : memref<!tpu.dma_semaphore, #tpu.memory_space<semaphore_mem>>)
    }
    %scan3A_77 = arith.constant 61 : i32
    %dma_wait3A_78 = arith.constant 0 : i32
    %dma_wait3A_79 = tpu.memref_slice %arg8[%dma_wait3A_78] : memref<10000xi32, #tpu.memory_space<vmem>> -> memref<80xi32, #tpu.memory_space<vmem>>
    %dma_wait3A_80 = arith.constant 0 : i32
    %dma_wait3A_81 = arith.constant 0 : i32
    %dma_wait3A_82 = tpu.memref_slice %arg2[%dma_wait3A_80, %dma_wait3A_81] : memref<10000x128xf32, #tpu.memory_space<hbm>> -> memref<10000x128xf32, #tpu.memory_space<hbm>>
    tpu.wait_indirect_dma semaphore(%arg16 : memref<!tpu.dma_semaphore, #tpu.memory_space<semaphore_mem>>) src(%dma_wait3A_82 : memref<10000x128xf32, #tpu.memory_space<hbm>>) dst(%arg12 : memref<80x128xf32, #tpu.memory_space<vmem>>)
    %dma_wait3A_83 = arith.constant 0 : i32
    %dma_wait3A_84 = tpu.memref_slice %arg3[%dma_wait3A_83] : memref<640000xi32, #tpu.memory_space<hbm>> -> memref<80xi32, #tpu.memory_space<hbm>>
    %dma_wait3A_85 = arith.constant 0 : i32
    %dma_wait3A_86 = tpu.memref_slice %arg3[%dma_wait3A_85] : memref<640000xi32, #tpu.memory_space<hbm>> -> memref<80xi32, #tpu.memory_space<hbm>>
    tpu.wait_dma2 semaphore(%arg22 : memref<!tpu.dma_semaphore, #tpu.memory_space<semaphore_mem>>) src(%dma_wait3A_86 : memref<80xi32, #tpu.memory_space<hbm>>) dst(%arg10 : memref<80xi32, #tpu.memory_space<vmem>>)
    %dma_start3A_87 = arith.constant 0 : i32
    %dma_start3A_88 = arith.constant 0 : i32
    %dma_start3A_89 = tpu.memref_slice %arg6[%dma_start3A_87, %dma_start3A_88] : memref<10000x128xf32, #tpu.memory_space<vmem_shared>> -> memref<10000x128xf32, #tpu.memory_space<vmem_shared>>
    tpu.enqueue_indirect_dma source(%arg12 : memref<80x128xf32, #tpu.memory_space<vmem>>) target(%dma_start3A_89 : memref<10000x128xf32, #tpu.memory_space<vmem_shared>>) offsets(%arg10 : memref<80xi32, #tpu.memory_space<vmem>>) semaphore(%arg18 : memref<!tpu.dma_semaphore, #tpu.memory_space<semaphore_mem>>) {add = true}
    %dma_wait3A_90 = arith.constant 0 : i32
    %dma_wait3A_91 = arith.constant 0 : i32
    %dma_wait3A_92 = tpu.memref_slice %arg6[%dma_wait3A_90, %dma_wait3A_91] : memref<10000x128xf32, #tpu.memory_space<vmem_shared>> -> memref<10000x128xf32, #tpu.memory_space<vmem_shared>>
    tpu.wait_indirect_dma semaphore(%arg17 : memref<!tpu.dma_semaphore, #tpu.memory_space<semaphore_mem>>) src(%arg11 : memref<80x128xf32, #tpu.memory_space<vmem>>) dst(%dma_wait3A_92 : memref<10000x128xf32, #tpu.memory_space<vmem_shared>>)
    %add3A_93 = arith.constant 320000 : i32
    %add3A_94 = arith.addi %add3A_93, %mul3A_2 : i32
    %add3A_95 = arith.constant 9920 : i32
    %add3A_96 = arith.addi %add3A_94, %add3A_95 : i32
    %dma_start3A_97 = tpu.memref_slice %arg3[%add3A_96] : memref<640000xi32, #tpu.memory_space<hbm>> -> memref<80xi32, #tpu.memory_space<hbm>>
    %dma_start3A_98 = tpu.memref_slice %arg3[%add3A_96] : memref<640000xi32, #tpu.memory_space<hbm>> -> memref<80xi32, #tpu.memory_space<hbm>>
    tpu.enqueue_dma source(%dma_start3A_98 : memref<80xi32, #tpu.memory_space<hbm>>) target(%arg9 : memref<80xi32, #tpu.memory_space<vmem>>) target_semaphore(%arg21 : memref<!tpu.dma_semaphore, #tpu.memory_space<semaphore_mem>>)
    %dma_start3A_99 = arith.constant 9920 : i32
    %dma_start3A_100 = tpu.memref_slice %arg8[%dma_start3A_99] : memref<10000xi32, #tpu.memory_space<vmem>> -> memref<80xi32, #tpu.memory_space<vmem>>
    %dma_start3A_101 = arith.constant 0 : i32
    %dma_start3A_102 = arith.constant 0 : i32
    %dma_start3A_103 = tpu.memref_slice %arg2[%dma_start3A_101, %dma_start3A_102] : memref<10000x128xf32, #tpu.memory_space<hbm>> -> memref<10000x128xf32, #tpu.memory_space<hbm>>
    tpu.enqueue_indirect_dma source(%dma_start3A_103 : memref<10000x128xf32, #tpu.memory_space<hbm>>) target(%arg11 : memref<80x128xf32, #tpu.memory_space<vmem>>) offsets(%dma_start3A_100 : memref<80xi32, #tpu.memory_space<vmem>>) semaphore(%arg15 : memref<!tpu.dma_semaphore, #tpu.memory_space<semaphore_mem>>)
    %dma_wait3A_104 = arith.constant 0 : i32
    %dma_wait3A_105 = tpu.memref_slice %arg8[%dma_wait3A_104] : memref<10000xi32, #tpu.memory_space<vmem>> -> memref<80xi32, #tpu.memory_space<vmem>>
    %dma_wait3A_106 = arith.constant 0 : i32
    %dma_wait3A_107 = arith.constant 0 : i32
    %dma_wait3A_108 = tpu.memref_slice %arg2[%dma_wait3A_106, %dma_wait3A_107] : memref<10000x128xf32, #tpu.memory_space<hbm>> -> memref<10000x128xf32, #tpu.memory_space<hbm>>
    tpu.wait_indirect_dma semaphore(%arg15 : memref<!tpu.dma_semaphore, #tpu.memory_space<semaphore_mem>>) src(%dma_wait3A_108 : memref<10000x128xf32, #tpu.memory_space<hbm>>) dst(%arg11 : memref<80x128xf32, #tpu.memory_space<vmem>>)
    %dma_wait3A_109 = arith.constant 0 : i32
    %dma_wait3A_110 = tpu.memref_slice %arg3[%dma_wait3A_109] : memref<640000xi32, #tpu.memory_space<hbm>> -> memref<80xi32, #tpu.memory_space<hbm>>
    %dma_wait3A_111 = arith.constant 0 : i32
    %dma_wait3A_112 = tpu.memref_slice %arg3[%dma_wait3A_111] : memref<640000xi32, #tpu.memory_space<hbm>> -> memref<80xi32, #tpu.memory_space<hbm>>
    tpu.wait_dma2 semaphore(%arg21 : memref<!tpu.dma_semaphore, #tpu.memory_space<semaphore_mem>>) src(%dma_wait3A_112 : memref<80xi32, #tpu.memory_space<hbm>>) dst(%arg9 : memref<80xi32, #tpu.memory_space<vmem>>)
    %dma_start3A_113 = arith.constant 0 : i32
    %dma_start3A_114 = arith.constant 0 : i32
    %dma_start3A_115 = tpu.memref_slice %arg6[%dma_start3A_113, %dma_start3A_114] : memref<10000x128xf32, #tpu.memory_space<vmem_shared>> -> memref<10000x128xf32, #tpu.memory_space<vmem_shared>>
    tpu.enqueue_indirect_dma source(%arg11 : memref<80x128xf32, #tpu.memory_space<vmem>>) target(%dma_start3A_115 : memref<10000x128xf32, #tpu.memory_space<vmem_shared>>) offsets(%arg9 : memref<80xi32, #tpu.memory_space<vmem>>) semaphore(%arg17 : memref<!tpu.dma_semaphore, #tpu.memory_space<semaphore_mem>>) {add = true}
    %dma_wait3A_116 = arith.constant 0 : i32
    %dma_wait3A_117 = arith.constant 0 : i32
    %dma_wait3A_118 = tpu.memref_slice %arg6[%dma_wait3A_116, %dma_wait3A_117] : memref<10000x128xf32, #tpu.memory_space<vmem_shared>> -> memref<10000x128xf32, #tpu.memory_space<vmem_shared>>
    tpu.wait_indirect_dma semaphore(%arg18 : memref<!tpu.dma_semaphore, #tpu.memory_space<semaphore_mem>>) src(%arg12 : memref<80x128xf32, #tpu.memory_space<vmem>>) dst(%dma_wait3A_118 : memref<10000x128xf32, #tpu.memory_space<vmem_shared>>)
    %dma_wait3A_119 = arith.constant 0 : i32
    %dma_wait3A_120 = arith.constant 0 : i32
    %dma_wait3A_121 = tpu.memref_slice %arg6[%dma_wait3A_119, %dma_wait3A_120] : memref<10000x128xf32, #tpu.memory_space<vmem_shared>> -> memref<10000x128xf32, #tpu.memory_space<vmem_shared>>
    tpu.wait_indirect_dma semaphore(%arg17 : memref<!tpu.dma_semaphore, #tpu.memory_space<semaphore_mem>>) src(%arg11 : memref<80x128xf32, #tpu.memory_space<vmem>>) dst(%dma_wait3A_121 : memref<10000x128xf32, #tpu.memory_space<vmem_shared>>)
    %barrier3A_122 = arith.constant 0 : index
    tpu.barrier barrier_id(%barrier3A_122)
    %lt3A = arith.constant 15 : i32
    %lt3A_123 = arith.cmpi slt, %arg1, %lt3A : i32
    %convert_element_type3A = arith.extui %lt3A_123 : i1 to i32
    %cond3A = arith.constant 0 : i32
    %cond3A_124 = arith.cmpi ne, %convert_element_type3A, %cond3A : i32
    scf.if %cond3A_124 {
      %mul3A_129 = arith.constant 632 : i32
      %mul3A_130 = arith.muli %arg1, %mul3A_129 : i32
      %mul3A_131 = arith.constant 632 : i32
      %mul3A_132 = arith.muli %arg1, %mul3A_131 : i32
      "tpu.region"() ({
        %run_scoped3A = tpu.sem_alloc : memref<!tpu.dma_semaphore, #tpu.memory_space<semaphore_mem>>
        %dma_start3A_133 = arith.constant 0 : i32
        %dma_start3A_134 = tpu.memref_slice %arg4[%arg0, %mul3A_132, %dma_start3A_133] : memref<2x10000x128xf32, #tpu.memory_space<hbm>> -> memref<1x632x128xf32, #tpu.memory_space<hbm>>
        %dma_start3A_135 = tpu.memref_squeeze %dma_start3A_134 : memref<1x632x128xf32, #tpu.memory_space<hbm>> -> memref<632x128xf32, #tpu.memory_space<hbm>>
        %dma_start3A_136 = arith.constant 0 : i32
        %dma_start3A_137 = tpu.memref_slice %arg6[%mul3A_130, %dma_start3A_136] : memref<10000x128xf32, #tpu.memory_space<vmem_shared>> -> memref<632x128xf32, #tpu.memory_space<vmem_shared>>
        tpu.enqueue_dma source(%dma_start3A_137 : memref<632x128xf32, #tpu.memory_space<vmem_shared>>) target(%dma_start3A_135 : memref<632x128xf32, #tpu.memory_space<hbm>>) target_semaphore(%run_scoped3A : memref<!tpu.dma_semaphore, #tpu.memory_space<semaphore_mem>>)
        %dma_wait3A_138 = arith.constant 0 : i32
        %dma_wait3A_139 = tpu.memref_slice %arg4[%arg0, %mul3A_132, %dma_wait3A_138] : memref<2x10000x128xf32, #tpu.memory_space<hbm>> -> memref<1x632x128xf32, #tpu.memory_space<hbm>>
        %dma_wait3A_140 = tpu.memref_squeeze %dma_wait3A_139 : memref<1x632x128xf32, #tpu.memory_space<hbm>> -> memref<632x128xf32, #tpu.memory_space<hbm>>
        %dma_wait3A_141 = arith.constant 0 : i32
        %dma_wait3A_142 = tpu.memref_slice %arg6[%mul3A_130, %dma_wait3A_141] : memref<10000x128xf32, #tpu.memory_space<vmem_shared>> -> memref<632x128xf32, #tpu.memory_space<vmem_shared>>
        tpu.wait_dma2 semaphore(%run_scoped3A : memref<!tpu.dma_semaphore, #tpu.memory_space<semaphore_mem>>) src(%dma_wait3A_142 : memref<632x128xf32, #tpu.memory_space<vmem_shared>>) dst(%dma_wait3A_140 : memref<632x128xf32, #tpu.memory_space<hbm>>)
        tpu.yield
      }) : () -> ()
    } else {
    }
    %eq3A = arith.constant 15 : i32
    %eq3A_125 = arith.cmpi eq, %arg1, %eq3A : i32
    %convert_element_type3A_126 = arith.extui %eq3A_125 : i1 to i32
    %cond3A_127 = arith.constant 0 : i32
    %cond3A_128 = arith.cmpi ne, %convert_element_type3A_126, %cond3A_127 : i32
    scf.if %cond3A_128 {
      %mul3A_129 = arith.constant 632 : i32
      %mul3A_130 = arith.muli %arg1, %mul3A_129 : i32
      %mul3A_131 = arith.constant 632 : i32
      %mul3A_132 = arith.muli %arg1, %mul3A_131 : i32
      "tpu.region"() ({
        %run_scoped3A = tpu.sem_alloc : memref<!tpu.dma_semaphore, #tpu.memory_space<semaphore_mem>>
        %dma_start3A_133 = arith.constant 0 : i32
        %dma_start3A_134 = tpu.memref_slice %arg4[%arg0, %mul3A_132, %dma_start3A_133] : memref<2x10000x128xf32, #tpu.memory_space<hbm>> -> memref<1x520x128xf32, #tpu.memory_space<hbm>>
        %dma_start3A_135 = tpu.memref_squeeze %dma_start3A_134 : memref<1x520x128xf32, #tpu.memory_space<hbm>> -> memref<520x128xf32, #tpu.memory_space<hbm>>
        %dma_start3A_136 = arith.constant 0 : i32
        %dma_start3A_137 = tpu.memref_slice %arg6[%mul3A_130, %dma_start3A_136] : memref<10000x128xf32, #tpu.memory_space<vmem_shared>> -> memref<520x128xf32, #tpu.memory_space<vmem_shared>>
        tpu.enqueue_dma source(%dma_start3A_137 : memref<520x128xf32, #tpu.memory_space<vmem_shared>>) target(%dma_start3A_135 : memref<520x128xf32, #tpu.memory_space<hbm>>) target_semaphore(%run_scoped3A : memref<!tpu.dma_semaphore, #tpu.memory_space<semaphore_mem>>)
        %dma_wait3A_138 = arith.constant 0 : i32
        %dma_wait3A_139 = tpu.memref_slice %arg4[%arg0, %mul3A_132, %dma_wait3A_138] : memref<2x10000x128xf32, #tpu.memory_space<hbm>> -> memref<1x520x128xf32, #tpu.memory_space<hbm>>
        %dma_wait3A_140 = tpu.memref_squeeze %dma_wait3A_139 : memref<1x520x128xf32, #tpu.memory_space<hbm>> -> memref<520x128xf32, #tpu.memory_space<hbm>>
        %dma_wait3A_141 = arith.constant 0 : i32
        %dma_wait3A_142 = tpu.memref_slice %arg6[%mul3A_130, %dma_wait3A_141] : memref<10000x128xf32, #tpu.memory_space<vmem_shared>> -> memref<520x128xf32, #tpu.memory_space<vmem_shared>>
        tpu.wait_dma2 semaphore(%run_scoped3A : memref<!tpu.dma_semaphore, #tpu.memory_space<semaphore_mem>>) src(%dma_wait3A_142 : memref<520x128xf32, #tpu.memory_space<vmem_shared>>) dst(%dma_wait3A_140 : memref<520x128xf32, #tpu.memory_space<hbm>>)
        tpu.yield
      }) : () -> ()
    } else {
    }
    return
  }
}

module attributes {stable_mosaic.version = 14 : i64} {
  func.func @_tc_self_body(%arg0: i32, %arg1: memref<2000x128xf32, #tpu.memory_space<vmem>>, %arg2: memref<128x128xf32, #tpu.memory_space<vmem>>, %arg3: memref<2000x128xf32, #tpu.memory_space<vmem>>) attributes {dimension_semantics = [#tpu.dimension_semantics<arbitrary>], iteration_bounds = array<i64: 5>, scalar_prefetch = 0 : i64, scratch_operands = 0 : i64, tpu.core_type = #tpu.core_type<tc>, window_params = [{transform_indices = @transform_0, window_bounds = array<i64: 2000, 128>}, {pipeline_mode = #tpu.pipeline_mode<synchronous>, transform_indices = @transform_1, window_bounds = array<i64: 128, 128>}, {transform_indices = @transform_2, window_bounds = array<i64: 2000, 128>}]} {
    %get3A = arith.constant 0 : index
    %get3A_0 = arith.constant 0 : index
    %get3A_1 = vector.load %arg1[%get3A, %get3A_0] : memref<2000x128xf32, #tpu.memory_space<vmem>>, vector<2000x128xf32>
    %get3A_2 = arith.constant 0 : index
    %get3A_3 = arith.constant 0 : index
    %get3A_4 = vector.load %arg2[%get3A_2, %get3A_3] : memref<128x128xf32, #tpu.memory_space<vmem>>, vector<128x128xf32>
    %dot_general3A = arith.constant dense<0.000000e+00> : vector<2000x128xf32>
    %dot_general3A_5 = tpu.matmul %get3A_1, %get3A_4, %dot_general3A {dimension_numbers = #tpu.dot_dimension_numbers<[1], [0], [0], [1], [0, 0, 1, 1], [], []>, transpose_lhs_hint = false} : vector<2000x128xf32>, vector<128x128xf32>, vector<2000x128xf32> -> vector<2000x128xf32>
    %swap3A = arith.constant 0 : index
    %swap3A_6 = arith.constant 0 : index
    %swap3A_7 = vector.load %arg3[%swap3A, %swap3A_6] : memref<2000x128xf32, #tpu.memory_space<vmem>>, vector<2000x128xf32>
    tpu.vector_store %arg3[%swap3A, %swap3A_6], %dot_general3A_5 {strides = array<i32>} : memref<2000x128xf32, #tpu.memory_space<vmem>>, vector<2000x128xf32>,
    return
  }
  func.func @transform_0(%arg0: i32) -> (i32, i32) {
    %c0_i32 = arith.constant 0 : i32
    %c0_i32_0 = arith.constant 0 : i32
    return %arg0, %c0_i32 : i32, i32
  }
  func.func @transform_1(%arg0: i32) -> (i32, i32) {
    %c0_i32 = arith.constant 0 : i32
    %c0_i32_0 = arith.constant 0 : i32
    %c0_i32_1 = arith.constant 0 : i32
    return %c0_i32, %c0_i32_0 : i32, i32
  }
  func.func @transform_2(%arg0: i32) -> (i32, i32) {
    %c0_i32 = arith.constant 0 : i32
    %c0_i32_0 = arith.constant 0 : i32
    return %arg0, %c0_i32 : i32, i32
  }
}

module attributes {stable_mosaic.version = 14 : i64} {
  func.func @_tc1_body(%arg0: i32, %arg1: memref<2x2000x128xf32, #tpu.memory_space<vmem>>, %arg2: memref<2000x2xf32, #tpu.memory_space<vmem>>, %arg3: memref<2000x128xf32, #tpu.memory_space<vmem>>, %arg4: memref<128x128xf32, #tpu.memory_space<vmem>>, %arg5: memref<1x128xf32, #tpu.memory_space<vmem>>, %arg6: memref<1x128xf32, #tpu.memory_space<vmem>>, %arg7: memref<1x128xf32, #tpu.memory_space<vmem>>, %arg8: memref<1x128xf32, #tpu.memory_space<vmem>>, %arg9: memref<1x128xf32, #tpu.memory_space<vmem>>, %arg10: memref<2000x128xf32, #tpu.memory_space<vmem>>) attributes {dimension_semantics = [#tpu.dimension_semantics<arbitrary>], iteration_bounds = array<i64: 5>, scalar_prefetch = 0 : i64, scratch_operands = 0 : i64, tpu.core_type = #tpu.core_type<tc>, window_params = [{transform_indices = @transform_0, window_bounds = array<i64: 2, 2000, 128>}, {transform_indices = @transform_1, window_bounds = array<i64: 2000, 2>}, {transform_indices = @transform_2, window_bounds = array<i64: 2000, 128>}, {pipeline_mode = #tpu.pipeline_mode<synchronous>, transform_indices = @transform_3, window_bounds = array<i64: 128, 128>}, {pipeline_mode = #tpu.pipeline_mode<synchronous>, transform_indices = @transform_4, window_bounds = array<i64: 1, 128>}, {pipeline_mode = #tpu.pipeline_mode<synchronous>, transform_indices = @transform_5, window_bounds = array<i64: 1, 128>}, {pipeline_mode = #tpu.pipeline_mode<synchronous>, transform_indices = @transform_6, window_bounds = array<i64: 1, 128>}, {pipeline_mode = #tpu.pipeline_mode<synchronous>, transform_indices = @transform_7, window_bounds = array<i64: 1, 128>}, {pipeline_mode = #tpu.pipeline_mode<synchronous>, transform_indices = @transform_8, window_bounds = array<i64: 1, 128>}, {transform_indices = @transform_9, window_bounds = array<i64: 2000, 128>}]} {
    %get3A = arith.constant 0 : index
    %get3A_0 = arith.constant 0 : index
    %get3A_1 = arith.constant 0 : index
    %get3A_2 = vector.load %arg1[%get3A, %get3A_0, %get3A_1] : memref<2x2000x128xf32, #tpu.memory_space<vmem>>, vector<1x2000x128xf32>
    %get3A_3 = vector.shape_cast %get3A_2 : vector<1x2000x128xf32> to vector<2000x128xf32>
    %get3A_4 = arith.constant 1 : index
    %get3A_5 = arith.constant 0 : index
    %get3A_6 = arith.constant 0 : index
    %get3A_7 = vector.load %arg1[%get3A_4, %get3A_5, %get3A_6] : memref<2x2000x128xf32, #tpu.memory_space<vmem>>, vector<1x2000x128xf32>
    %get3A_8 = vector.shape_cast %get3A_7 : vector<1x2000x128xf32> to vector<2000x128xf32>
    %add3A = arith.addf %get3A_3, %get3A_8 : vector<2000x128xf32>
    %get3A_9 = arith.constant 0 : index
    %get3A_10 = arith.constant 0 : index
    %get3A_11 = vector.load %arg2[%get3A_9, %get3A_10] : memref<2000x2xf32, #tpu.memory_space<vmem>>, vector<2000x1xf32>
    %get3A_12 = arith.constant 0 : index
    %get3A_13 = arith.constant 1 : index
    %get3A_14 = vector.load %arg2[%get3A_12, %get3A_13] : memref<2000x2xf32, #tpu.memory_space<vmem>>, vector<2000x1xf32>
    %add3A_15 = arith.addf %get3A_11, %get3A_14 : vector<2000x1xf32>
    %max3A = arith.constant 1.000000e+00 : f32
    %max3A_16 = vector.broadcast %max3A : f32 to vector<2000x1xf32>
    %max3A_17 = arith.maximumf %add3A_15, %max3A_16 : vector<2000x1xf32>
    %div3A = arith.constant 1.000000e+00 : f32
    %div3A_18 = vector.broadcast %div3A : f32 to vector<2000x1xf32>
    %div3A_19 = arith.divf %div3A_18, %max3A_17 : vector<2000x1xf32>
    %mul3A = vector.broadcast %div3A_19 : vector<2000x1xf32> to vector<2000x128xf32>
    %mul3A_20 = arith.mulf %add3A, %mul3A : vector<2000x128xf32>
    %get3A_21 = arith.constant 0 : index
    %get3A_22 = arith.constant 0 : index
    %get3A_23 = vector.load %arg4[%get3A_21, %get3A_22] : memref<128x128xf32, #tpu.memory_space<vmem>>, vector<128x128xf32>
    %dot_general3A = arith.constant dense<0.000000e+00> : vector<2000x128xf32>
    %dot_general3A_24 = tpu.matmul %mul3A_20, %get3A_23, %dot_general3A {dimension_numbers = #tpu.dot_dimension_numbers<[1], [0], [0], [1], [0, 0, 1, 1], [], []>, transpose_lhs_hint = false} : vector<2000x128xf32>, vector<128x128xf32>, vector<2000x128xf32> -> vector<2000x128xf32>
    %get3A_25 = arith.constant 0 : index
    %get3A_26 = arith.constant 0 : index
    %get3A_27 = vector.load %arg3[%get3A_25, %get3A_26] : memref<2000x128xf32, #tpu.memory_space<vmem>>, vector<2000x128xf32>
    %add3A_28 = arith.addf %dot_general3A_24, %get3A_27 : vector<2000x128xf32>
    %get3A_29 = arith.constant 0 : index
    %get3A_30 = arith.constant 0 : index
    %get3A_31 = vector.load %arg5[%get3A_29, %get3A_30] : memref<1x128xf32, #tpu.memory_space<vmem>>, vector<1x128xf32>
    %add3A_32 = vector.broadcast %get3A_31 : vector<1x128xf32> to vector<2000x128xf32>
    %add3A_33 = arith.addf %add3A_28, %add3A_32 : vector<2000x128xf32>
    %get3A_34 = arith.constant 0 : index
    %get3A_35 = arith.constant 0 : index
    %get3A_36 = vector.load %arg6[%get3A_34, %get3A_35] : memref<1x128xf32, #tpu.memory_space<vmem>>, vector<1x128xf32>
    %get3A_37 = arith.constant 0 : index
    %get3A_38 = arith.constant 0 : index
    %get3A_39 = vector.load %arg9[%get3A_37, %get3A_38] : memref<1x128xf32, #tpu.memory_space<vmem>>, vector<1x128xf32>
    %add3A_40 = arith.constant 9.99999974E-6 : f32
    %add3A_41 = vector.broadcast %add3A_40 : f32 to vector<1x128xf32>
    %add3A_42 = arith.addf %get3A_39, %add3A_41 : vector<1x128xf32>
    %rsqrt3A = math.rsqrt %add3A_42 : vector<1x128xf32>
    %mul3A_43 = arith.mulf %get3A_36, %rsqrt3A : vector<1x128xf32>
    %get3A_44 = arith.constant 0 : index
    %get3A_45 = arith.constant 0 : index
    %get3A_46 = vector.load %arg7[%get3A_44, %get3A_45] : memref<1x128xf32, #tpu.memory_space<vmem>>, vector<1x128xf32>
    %get3A_47 = arith.constant 0 : index
    %get3A_48 = arith.constant 0 : index
    %get3A_49 = vector.load %arg8[%get3A_47, %get3A_48] : memref<1x128xf32, #tpu.memory_space<vmem>>, vector<1x128xf32>
    %mul3A_50 = arith.mulf %get3A_49, %mul3A_43 : vector<1x128xf32>
    %sub3A = arith.subf %get3A_46, %mul3A_50 : vector<1x128xf32>
    %mul3A_51 = vector.broadcast %mul3A_43 : vector<1x128xf32> to vector<2000x128xf32>
    %mul3A_52 = arith.mulf %add3A_33, %mul3A_51 : vector<2000x128xf32>
    %add3A_53 = vector.broadcast %sub3A : vector<1x128xf32> to vector<2000x128xf32>
    %add3A_54 = arith.addf %mul3A_52, %add3A_53 : vector<2000x128xf32>
    %max3A_55 = arith.constant 0.000000e+00 : f32
    %max3A_56 = vector.broadcast %max3A_55 : f32 to vector<2000x128xf32>
    %max3A_57 = arith.maximumf %add3A_54, %max3A_56 : vector<2000x128xf32>
    %swap3A = arith.constant 0 : index
    %swap3A_58 = arith.constant 0 : index
    %swap3A_59 = vector.load %arg10[%swap3A, %swap3A_58] : memref<2000x128xf32, #tpu.memory_space<vmem>>, vector<2000x128xf32>
    tpu.vector_store %arg10[%swap3A, %swap3A_58], %max3A_57 {strides = array<i32>} : memref<2000x128xf32, #tpu.memory_space<vmem>>, vector<2000x128xf32>,
    return
  }
  func.func @transform_0(%arg0: i32) -> (i32, i32, i32) {
    %c0_i32 = arith.constant 0 : i32
    %c0_i32_0 = arith.constant 0 : i32
    %c0_i32_1 = arith.constant 0 : i32
    return %c0_i32, %arg0, %c0_i32_0 : i32, i32, i32
  }
  func.func @transform_1(%arg0: i32) -> (i32, i32) {
    %c0_i32 = arith.constant 0 : i32
    %c0_i32_0 = arith.constant 0 : i32
    return %arg0, %c0_i32 : i32, i32
  }
  func.func @transform_2(%arg0: i32) -> (i32, i32) {
    %c0_i32 = arith.constant 0 : i32
    %c0_i32_0 = arith.constant 0 : i32
    return %arg0, %c0_i32 : i32, i32
  }
  func.func @transform_3(%arg0: i32) -> (i32, i32) {
    %c0_i32 = arith.constant 0 : i32
    %c0_i32_0 = arith.constant 0 : i32
    %c0_i32_1 = arith.constant 0 : i32
    return %c0_i32, %c0_i32_0 : i32, i32
  }
  func.func @transform_4(%arg0: i32) -> (i32, i32) {
    %c0_i32 = arith.constant 0 : i32
    %c0_i32_0 = arith.constant 0 : i32
    %c0_i32_1 = arith.constant 0 : i32
    return %c0_i32, %c0_i32_0 : i32, i32
  }
  func.func @transform_5(%arg0: i32) -> (i32, i32) {
    %c0_i32 = arith.constant 0 : i32
    %c0_i32_0 = arith.constant 0 : i32
    %c0_i32_1 = arith.constant 0 : i32
    return %c0_i32, %c0_i32_0 : i32, i32
  }
  func.func @transform_6(%arg0: i32) -> (i32, i32) {
    %c0_i32 = arith.constant 0 : i32
    %c0_i32_0 = arith.constant 0 : i32
    %c0_i32_1 = arith.constant 0 : i32
    return %c0_i32, %c0_i32_0 : i32, i32
  }
  func.func @transform_7(%arg0: i32) -> (i32, i32) {
    %c0_i32 = arith.constant 0 : i32
    %c0_i32_0 = arith.constant 0 : i32
    %c0_i32_1 = arith.constant 0 : i32
    return %c0_i32, %c0_i32_0 : i32, i32
  }
  func.func @transform_8(%arg0: i32) -> (i32, i32) {
    %c0_i32 = arith.constant 0 : i32
    %c0_i32_0 = arith.constant 0 : i32
    %c0_i32_1 = arith.constant 0 : i32
    return %c0_i32, %c0_i32_0 : i32, i32
  }
  func.func @transform_9(%arg0: i32) -> (i32, i32) {
    %c0_i32 = arith.constant 0 : i32
    %c0_i32_0 = arith.constant 0 : i32
    return %arg0, %c0_i32 : i32, i32
  }
}

module attributes {stable_mosaic.version = 14 : i64} {
  func.func @_tc2_body(%arg0: i32, %arg1: memref<2x2000x128xf32, #tpu.memory_space<vmem>>, %arg2: memref<2000x2xf32, #tpu.memory_space<vmem>>, %arg3: memref<2000x128xf32, #tpu.memory_space<vmem>>, %arg4: memref<128x128xf32, #tpu.memory_space<vmem>>, %arg5: memref<1x128xf32, #tpu.memory_space<vmem>>, %arg6: memref<2000x128xf32, #tpu.memory_space<vmem>>) attributes {dimension_semantics = [#tpu.dimension_semantics<arbitrary>], iteration_bounds = array<i64: 5>, scalar_prefetch = 0 : i64, scratch_operands = 0 : i64, tpu.core_type = #tpu.core_type<tc>, window_params = [{transform_indices = @transform_0, window_bounds = array<i64: 2, 2000, 128>}, {transform_indices = @transform_1, window_bounds = array<i64: 2000, 2>}, {transform_indices = @transform_2, window_bounds = array<i64: 2000, 128>}, {pipeline_mode = #tpu.pipeline_mode<synchronous>, transform_indices = @transform_3, window_bounds = array<i64: 128, 128>}, {pipeline_mode = #tpu.pipeline_mode<synchronous>, transform_indices = @transform_4, window_bounds = array<i64: 1, 128>}, {transform_indices = @transform_5, window_bounds = array<i64: 2000, 128>}]} {
    %get3A = arith.constant 0 : index
    %get3A_0 = arith.constant 0 : index
    %get3A_1 = arith.constant 0 : index
    %get3A_2 = vector.load %arg1[%get3A, %get3A_0, %get3A_1] : memref<2x2000x128xf32, #tpu.memory_space<vmem>>, vector<1x2000x128xf32>
    %get3A_3 = vector.shape_cast %get3A_2 : vector<1x2000x128xf32> to vector<2000x128xf32>
    %get3A_4 = arith.constant 1 : index
    %get3A_5 = arith.constant 0 : index
    %get3A_6 = arith.constant 0 : index
    %get3A_7 = vector.load %arg1[%get3A_4, %get3A_5, %get3A_6] : memref<2x2000x128xf32, #tpu.memory_space<vmem>>, vector<1x2000x128xf32>
    %get3A_8 = vector.shape_cast %get3A_7 : vector<1x2000x128xf32> to vector<2000x128xf32>
    %add3A = arith.addf %get3A_3, %get3A_8 : vector<2000x128xf32>
    %get3A_9 = arith.constant 0 : index
    %get3A_10 = arith.constant 0 : index
    %get3A_11 = vector.load %arg2[%get3A_9, %get3A_10] : memref<2000x2xf32, #tpu.memory_space<vmem>>, vector<2000x1xf32>
    %get3A_12 = arith.constant 0 : index
    %get3A_13 = arith.constant 1 : index
    %get3A_14 = vector.load %arg2[%get3A_12, %get3A_13] : memref<2000x2xf32, #tpu.memory_space<vmem>>, vector<2000x1xf32>
    %add3A_15 = arith.addf %get3A_11, %get3A_14 : vector<2000x1xf32>
    %max3A = arith.constant 1.000000e+00 : f32
    %max3A_16 = vector.broadcast %max3A : f32 to vector<2000x1xf32>
    %max3A_17 = arith.maximumf %add3A_15, %max3A_16 : vector<2000x1xf32>
    %div3A = arith.constant 1.000000e+00 : f32
    %div3A_18 = vector.broadcast %div3A : f32 to vector<2000x1xf32>
    %div3A_19 = arith.divf %div3A_18, %max3A_17 : vector<2000x1xf32>
    %mul3A = vector.broadcast %div3A_19 : vector<2000x1xf32> to vector<2000x128xf32>
    %mul3A_20 = arith.mulf %add3A, %mul3A : vector<2000x128xf32>
    %get3A_21 = arith.constant 0 : index
    %get3A_22 = arith.constant 0 : index
    %get3A_23 = vector.load %arg4[%get3A_21, %get3A_22] : memref<128x128xf32, #tpu.memory_space<vmem>>, vector<128x128xf32>
    %dot_general3A = arith.constant dense<0.000000e+00> : vector<2000x128xf32>
    %dot_general3A_24 = tpu.matmul %mul3A_20, %get3A_23, %dot_general3A {dimension_numbers = #tpu.dot_dimension_numbers<[1], [0], [0], [1], [0, 0, 1, 1], [], []>, transpose_lhs_hint = false} : vector<2000x128xf32>, vector<128x128xf32>, vector<2000x128xf32> -> vector<2000x128xf32>
    %get3A_25 = arith.constant 0 : index
    %get3A_26 = arith.constant 0 : index
    %get3A_27 = vector.load %arg3[%get3A_25, %get3A_26] : memref<2000x128xf32, #tpu.memory_space<vmem>>, vector<2000x128xf32>
    %add3A_28 = arith.addf %dot_general3A_24, %get3A_27 : vector<2000x128xf32>
    %get3A_29 = arith.constant 0 : index
    %get3A_30 = arith.constant 0 : index
    %get3A_31 = vector.load %arg5[%get3A_29, %get3A_30] : memref<1x128xf32, #tpu.memory_space<vmem>>, vector<1x128xf32>
    %add3A_32 = vector.broadcast %get3A_31 : vector<1x128xf32> to vector<2000x128xf32>
    %add3A_33 = arith.addf %add3A_28, %add3A_32 : vector<2000x128xf32>
    %swap3A = arith.constant 0 : index
    %swap3A_34 = arith.constant 0 : index
    %swap3A_35 = vector.load %arg6[%swap3A, %swap3A_34] : memref<2000x128xf32, #tpu.memory_space<vmem>>, vector<2000x128xf32>
    tpu.vector_store %arg6[%swap3A, %swap3A_34], %add3A_33 {strides = array<i32>} : memref<2000x128xf32, #tpu.memory_space<vmem>>, vector<2000x128xf32>,
    return
  }
  func.func @transform_0(%arg0: i32) -> (i32, i32, i32) {
    %c0_i32 = arith.constant 0 : i32
    %c0_i32_0 = arith.constant 0 : i32
    %c0_i32_1 = arith.constant 0 : i32
    return %c0_i32, %arg0, %c0_i32_0 : i32, i32, i32
  }
  func.func @transform_1(%arg0: i32) -> (i32, i32) {
    %c0_i32 = arith.constant 0 : i32
    %c0_i32_0 = arith.constant 0 : i32
    return %arg0, %c0_i32 : i32, i32
  }
  func.func @transform_2(%arg0: i32) -> (i32, i32) {
    %c0_i32 = arith.constant 0 : i32
    %c0_i32_0 = arith.constant 0 : i32
    return %arg0, %c0_i32 : i32, i32
  }
  func.func @transform_3(%arg0: i32) -> (i32, i32) {
    %c0_i32 = arith.constant 0 : i32
    %c0_i32_0 = arith.constant 0 : i32
    %c0_i32_1 = arith.constant 0 : i32
    return %c0_i32, %c0_i32_0 : i32, i32
  }
  func.func @transform_4(%arg0: i32) -> (i32, i32) {
    %c0_i32 = arith.constant 0 : i32
    %c0_i32_0 = arith.constant 0 : i32
    %c0_i32_1 = arith.constant 0 : i32
    return %c0_i32, %c0_i32_0 : i32, i32
  }
  func.func @transform_5(%arg0: i32) -> (i32, i32) {
    %c0_i32 = arith.constant 0 : i32
    %c0_i32_0 = arith.constant 0 : i32
    return %arg0, %c0_i32 : i32, i32
  }
}

</mosaic_0001>

<sc_bundles>
// kernel: sage_sc_agg.3.cloned.1.call-start
scs
__scs_entry_jumppad:
0x0: {  	(pc) =	sbr.rel $0x88, $3  }
0x1: {  	(tag) =	ssettag $0x0;
	lr =	simm.s32 $0x1  }
0x2: {  	[smem:$0x3F95] =	sst lr;
	_ =	strace $0xD0000000  }
0x3: {  	_ = 	snop  }
0x4: {  	_ = 	snop  }
0x5: {  	_ = 	snop  }
0x6: {  	_ = 	snop  }
0x7: {  	_ = 	snop  }
__scs_overlays_trampoline_lowered:
0x8: {  	[smem:$0x3FA4] =	sst s0  }
0x9: {  	[smem:$0x3FA5] =	sst s1  }
0xa: {  	[smem:$0x3FA6] =	sst s2  }
0xb: {  	[smem:$0x3FA7] =	sst s3  }
0xc: {  	[smem:$0x3FA8] =	sst s4  }
0xd: {  	[smem:$0x3FA9] =	sst s5  }
0xe: {  	[smem:$0x3FAA] =	sst s6  }
0xf: {  	[smem:$0x3FAB] =	sst s7  }
0x10: {  	[smem:$0x3FAC] =	sst s8  }
0x11: {  	[smem:$0x3FAD] =	sst s9;
	s0 =	simm.s32 @!p0 $0x0  }
0x12: {  	s1 =	sld [smem:$0x3F93];
	s0 =	simm.s32 @p0 $0x1  }
0x13: {  	[smem:$0x3FAE] =	sst s0;
	s0 =	simm.s32 @!p1 $0x0  }
0x14: {  	s2 =	sld [smem:$0x3F92];
	s0 =	simm.s32 @p1 $0x1  }
0x15: {  	[smem:$0x3FAF] =	sst s0;
	s0 =	simm.s32 @!p2 $0x0  }
0x16: {  	s3 =	sld [smem:$0x3FDB];
	s0 =	simm.s32 @p2 $0x1  }
0x17: {  	s4 =	simm.s32 $0x1BF5;
	[smem:$0x3FB1] =	sst s0  }
0x18: {  	s0 =	sld [smem:$0x3F94];
	_ =	swait.ge [sflag:s4], $0x0  }
0x19: {  	s7 =	sld [smem:$0x3F95]  }
0x1a: {  	s8 =	sadd.s32 $0xFFFFE003, lr  }
0x1b: {  	s9 =	sadd.s32 $0xFFFFFEF7, lr;
	s5 =	simm.s32 $0xFFFFFFFF;
	p2 =	slt.u32 s8, $0xFFFFF086  }
0x1c: {  	p1 =	slt.u32 s9, $0xF7A;
	s5 =	simm.s32 @!p2 $0x0  }
0x1d: {  	s5 =	simm.s32 @p1 $0x1;
	p0 =	seq.s32 s7, s2  }
0x1e: {  	s7 =	smul.u32 @!p0 $0xF7A, s2;
	p2 =	seq.s32 @!p0 s5, $0x0  }
0x1f: {  	s9 =	smul.u32 $0xF7A, s1;
	s8 =	simm.s32 @!p0 $0x1BF5;
	p2 =	por !p2, p0  }
0x20: {  	[sflag:s8] =	ssyncset.s32 @!p0 $0xFFFFF086;
	s6 =	sadd.s32 @!p0 s3, s7;
	s7 =	simm.s32 @!p0 $0x108  }
0x21: {  	s3 =	sadd.s32 s3, s9;
	s6 =	sadd.s32 @!p0 $0x88, s6;
	s7 =	simm.s32 @p2 $0x1082  }
0x22: {  	[simem:s7], [sflag:s8] =	dma.local @!p0 [hbm:s6], $0xF7A  }
0x23: {  	s9 =	sor.u32 $0xD0000000, s2;
	s6 =	simm.s32 $0x108;
	_ =	swait.ge @!p0 [sflag:s8], $0x0  }
0x24: {  	s3 =	sadd.s32 $0x88, s3;
	s6 =	simm.s32 @!p1 $0x1082;
	[sflag:s4] =	ssyncset.s32 $0xFFFFF086  }
0x25: {  	[simem:s6], [sflag:s4] =	dma.local [hbm:s3], $0xF7A  }
0x26: {  	[smem:$0x3F95] =	sst s1;
	(tag) =	ssettag s2;
	_ =	strace s9  }
0x27: {  	s1 =	sld [smem:$0x3FA5]  }
0x28: {  	s2 =	sld [smem:$0x3FA6]  }
0x29: {  	s4 =	sld [smem:$0x3FA8]  }
0x2a: {  	p0 =	seq.s32 s5, $0x0;
	s5 =	sld [smem:$0x3FA9]  }
0x2b: {  	s6 =	sld [smem:$0x3FAA]  }
0x2c: {  	s7 =	sld [smem:$0x3FAB]  }
0x2d: {  	s3 =	simm.s32 $0x108;
	s8 =	sld [smem:$0x3FAC]  }
0x2e: {  	s3 =	simm.s32 @!p0 $0x1082;
	s9 =	sld [smem:$0x3FAD]  }
0x2f: {  	lr =	sadd.s32 s0, s3;
	s0 =	sld [smem:$0x3FA4]  }
0x30: {  	s3 =	sld [smem:$0x3FA7]  }
0x31: {  	[smem:$0x3FB0] =	sst s10  }
0x32: {  	s10 =	sld [smem:$0x3FAE];
	_ =	sdelay $0x3  }
0x33: {  	p0 =	seq.s32 s10, $0x1;
	s10 =	sld [smem:$0x3FB0];
	_ =	sdelay $0x3  }
0x34: {  	[smem:$0x3FB0] =	sst s10  }
0x35: {  	s10 =	sld [smem:$0x3FAF];
	_ =	sdelay $0x3  }
0x36: {  	p1 =	seq.s32 s10, $0x1;
	s10 =	sld [smem:$0x3FB0];
	_ =	sdelay $0x3  }
0x37: {  	[smem:$0x3FB0] =	sst s10  }
0x38: {  	s10 =	sld [smem:$0x3FB1]  }
0x39: {  	_ = 	snop;
	(pc) =	sbr.ind lr, $3  }
0x3a: {  	_ = 	snop  }
0x3b: {  	_ = 	snop  }
0x3c: {  	p2 =	seq.s32 s10, $0x1;
	s10 =	sld [smem:$0x3FB0]  }
0x3d: {  	_ =	shalt  }
0x3e: {  	_ =	shalt  }
0x3f: {  	_ =	shalt  }
0x40: {  	_ =	shalt  }
0x41: {  	_ =	shalt  }
0x42: {  	_ =	shalt  }
0x43: {  	_ =	shalt  }
0x44: {  	_ =	shalt  }
0x45: {  	_ =	shalt  }
0x46: {  	_ =	shalt  }
0x47: {  	_ =	shalt  }
0x48: {  	_ =	shalt  }
0x49: {  	_ =	shalt  }
0x4a: {  	_ =	shalt  }
0x4b: {  	_ =	shalt  }
0x4c: {  	_ =	shalt  }
0x4d: {  	_ =	shalt  }
0x4e: {  	_ =	shalt  }
0x4f: {  	_ =	shalt  }
0x50: {  	_ =	shalt  }
0x51: {  	_ =	shalt  }
0x52: {  	_ =	shalt  }
0x53: {  	_ =	shalt  }
0x54: {  	_ =	shalt  }
0x55: {  	_ =	shalt  }
0x56: {  	_ =	shalt  }
0x57: {  	_ =	shalt  }
0x58: {  	_ =	shalt  }
0x59: {  	_ =	shalt  }
0x5a: {  	_ =	shalt  }
0x5b: {  	_ =	shalt  }
0x5c: {  	_ =	shalt  }
0x5d: {  	_ =	shalt  }
0x5e: {  	_ =	shalt  }
0x5f: {  	_ =	shalt  }
0x60: {  	_ =	shalt  }
0x61: {  	_ =	shalt  }
0x62: {  	_ =	shalt  }
0x63: {  	_ =	shalt  }
0x64: {  	_ =	shalt  }
0x65: {  	_ =	shalt  }
0x66: {  	_ =	shalt  }
0x67: {  	_ =	shalt  }
0x68: {  	_ =	shalt  }
0x69: {  	_ =	shalt  }
0x6a: {  	_ =	shalt  }
0x6b: {  	_ =	shalt  }
0x6c: {  	_ =	shalt  }
0x6d: {  	_ =	shalt  }
0x6e: {  	_ =	shalt  }
0x6f: {  	_ =	shalt  }
0x70: {  	_ =	shalt  }
0x71: {  	_ =	shalt  }
0x72: {  	_ =	shalt  }
0x73: {  	_ =	shalt  }
0x74: {  	_ =	shalt  }
0x75: {  	_ =	shalt  }
0x76: {  	_ =	shalt  }
0x77: {  	_ =	shalt  }
0x78: {  	_ =	shalt  }
0x79: {  	_ =	shalt  }
0x7a: {  	_ =	shalt  }
0x7b: {  	_ =	shalt  }
0x7c: {  	_ =	shalt  }
0x7d: {  	_ =	shalt  }
0x7e: {  	_ =	shalt  }
0x7f: {  	_ =	shalt  }
0x80: {  	_ =	shalt  }
0x81: {  	_ =	shalt  }
0x82: {  	_ =	shalt  }
0x83: {  	_ =	shalt  }
0x84: {  	_ =	shalt  }
0x85: {  	_ =	shalt  }
0x86: {  	_ =	shalt  }
0x87: {  	_ =	shalt  }
.Lfunc_end0:
.L_simem_size_0:
called_computation.1_lowered:
.L_overlay_start_0:
0x88: {  	s2 =	sld [smem:$0x3FD9]  }
0x89: {  	s3 =	sld [smem:$0x3FFE];
	_ =	sdelay $0x1  }
0x8a: {  	s1 =	srdreg.scid  }
0x8b: {  	s0 =	sand.u32 $0x1, s1  }
0x8c: {  	s17 =	sshll.u32 s0, $0xA;
	s2 =	sadd.s32 s3, s2  }
0x8d: {  	s2 =	sadd.s32 s2, s17  }
0x8e: {  	[smem:$0x3FBC] =	sst s2  }
0x8f: {  	_ = 	snop  }
0x90: {  	s2 =	sld [smem:$0x3FD0];
	(tm) =	ssettm $0x1  }
0x91: {  	s18 =	sld [smem:$0x3FFB];
	_ =	sdelay $0x3  }
0x92: {  	_ =	strace s18  }
0x93: {  	s3 =	sld [smem:$0x3FFC];
	_ =	sdelay $0x3  }
0x94: {  	_ =	strace s3  }
0x95: {  	s3 =	sld [smem:$0x3FFD];
	_ =	sdelay $0x3  }
0x96: {  	_ =	strace s3  }
0x97: {  	_ =	strace $0x8FFFFFFF  }
0x98: {  	s19 =	sld [smem:$0x3FDB];
	_ =	sdelay $0x1  }
0x99: {  	s4 =	simm.s32 $_scs_section_size  }
0x9a: {  	s5 =	simm.s32 $_size__tile_overlayer_lowered;
	s6 =	simm.s32 $_tile_overlayer_lowered  }
0x9b: {  	s22 =	simm.s32 $0x1BFF;
	s21 =	sshll.u32 s6, $0x1;
	s3 =	sadd.s32 s4, s19  }
0x9c: {  	s7 =	simm.s32 $0x0;
	s20 =	sshll.u32 s5, $0x1;
	s5 =	sadd.s32 s21, s3  }
0x9d: {  	[timem:s7], [sflag:s22] =	dma.local [hbm:s5], s20  }
0x9e: {  	_ =	swait.ge [sflag:s22], s20  }
0x9f: {  	s4 =	ssub.s32 $0x0, s20;
	[sflag:s22] =	ssyncset.done $0x0  }
0xa0: {  	[sflag:s22] =	ssyncadd.s32 s4;
	_ =	sdelay $0x1  }
0xa1: {  	s23 =	simm.s32 $0x1B8B  }
0xa2: {  	_ =	swait.ge [sflag:s23], $0x1  }
0xa3: {  	[sflag:s23] =	ssyncset.done $0x0  }
0xa4: {  	s25 =	simm.s32 $0x1B8E;
	s24 =	sld [smem:$0x3FFE];
	[sflag:s23] =	ssyncadd.s32 $0xFFFFFFFF  }
0xa5: {  	s26 =	simm.s32 $execute0_lowered;
	[smem:$0x3FD2] =	sst s25  }
0xa6: {  	s5 =	sshll.u32 s26, $0x1;
	_ =	strace $0x80000049;
	[dreg:$0x1] =	wrdreg $0xFFFFFFFF  }
0xa7: {  	s28 =	simm.s32 $_size_execute0_lowered;
	s3 =	sadd.s32 s3, s5;
	[dreg:$0x0] =	wrdreg $0x0  }
0xa8: {  	s5 =	sshll.u32 s28, $0x1;
	[dreg:$0x2] =	wrdreg s3  }
0xa9: {  	[dreg:$0x3] =	wrdreg s5  }
0xaa: {  	[dreg:$0x4] =	wrdreg $0xC0  }
0xab: {  	_ =	task [dreg:s7], $0x5FFFF  }
0xac: {  	[dreg:$0x1] =	wrdreg $0xFFFFFFFF  }
0xad: {  	[dreg:$0x0] =	wrdreg $0x60  }
0xae: {  	[dreg:$0x2] =	wrdreg s2  }
0xaf: {  	[dreg:$0x3] =	wrdreg s24  }
0xb0: {  	[dreg:$0x4] =	wrdreg $0x0  }
0xb1: {  	[dreg:$0x5] =	wrdreg $0x9  }
0xb2: {  	_ =	task.clear_ibuf [dreg:s7], $0x6FFFF;
	_ =	strace $0x90000049  }
0xb3: {  	s29 =	simm.s32 $0x9;
	_ =	strace $0x8000004B  }
0xb4: {  	_ =	swait.ge [sflag:s29], $0x1  }
0xb5: {  	[sflag:s29] =	ssyncadd.s32 $0xFFFFFFFF  }
0xb6: {  	_ =	strace $0x9000004B  }
0xb7: {  	_ =	sfence  }
0xb8: {  	s30 =	sld [smem:$0x0];
	_ =	sdelay $0x2  }
0xb9: {  	s31 =	sshll.u32 s1, $0xD;
	s1 =	sshrl.u32 s1, $0x2  }
0xba: {  	s3 =	sand.u32 $0x4000, s31;
	s1 =	sadd.s32 s1, s30  }
0xbb: {  	s0 =	sor.u32 s3, s0;
	s1 =	sshll.u32 s1, $0x11  }
0xbc: {  	s0 =	sor.u32 s1, s0  }
0xbd: {  	s0 =	sadd.s32 $0x8F2B, s0  }
0xbe: {  	[sflag:s0] =	ssyncadd.remote.s32 $0x1  }
0xbf: {  	_ =	sfence.sel $0xFFFF  }
0xc0: {  	[dreg:$0x0] =	wrdreg $0xFFFFFFFF;
	(pc) =	sbr.abs _section_cstart, $3  }
0xc1: {  	[dreg:$0x1] =	wrdreg $0xFFFFFFFF  }
0xc2: {  	_ =	task.clear_ibuf [dreg:s7], $0x2FFFF;
	_ =	strace $0x9FFFFFFF  }
0xc3: {  	(tm) =	ssettm $0x7FFFFFFF  }
tec
execute0_lowered:
.L_overlay_start_1:
0x0: {  	(tag) =	ssettag $0x1  }
0x1: {  	s1 =	rddreg [dreg:$0x0]  }
0x2: {  	s0 =	rddreg [dreg:$0x1]  }
0x3: {  	s2 =	rddreg [dreg:$0x2]  }
0x4: {  	s4 =	simm.s32 $0x0;
	s3 =	srdreg.scid;
	s12 =	stileid.u32  }
0x5: {  	s28 =	simm.s32 $0x16000;
	s29 =	simm.s32 $0x50;
	s5 =	smul.u32 $0x4E200, s12  }
0x6: {  	s30 =	simm.s32 $0x1;
	[smem:$0x7FF] =	sst s4;
	s18 =	smul.u32 $0x13C00, s12  }
0x7: {  	s3 =	sand.u32 $0x1, s3;
	s6 =	sadd.s32 $0x3200, s0;
	s21 =	smul.u32 $0x4F000, s12  }
0x8: {  	s0 =	sadd.s32 $0x17600, s0;
	s22 =	smul.u32 $0x2710, s12;
	p0 =	seq.s32 s12, $0xF  }
0x9: {  	s31 =	simm.s32 $0x5;
	_ =	strace $0x8000004A;
	s17 =	smul.u32 $0x138800, s3  }
0xa: {  	s7 =	ssub.s32 $0x2, s3;
	s9 =	sshll.u32 s3, $0x4;
	s3 =	smul.u32 $0x27100, s3  }
0xb: {  	s8 =	sshrl.u32 s7, $0x1;
	s5 =	sshrl.u32 s5, $0x2;
	s9 =	sor.u32 s12, s9  }
0xc: {  	s23 =	sshrl.u32 s21, $0x2;
	s7 =	ssub.s32 s7, s8;
	s5 =	sadd.s32 s5, s2  }
0xd: {  	s8 =	smul.u32 $0x2710, s9;
	s9 =	sshrl.u32 s17, $0x3;
	s10 =	sadd.s32 $0x2800, s5  }
0xe: {  	s24 =	sadd.s32 s22, s3;
	s11 =	sadd.s32 $0x5000, s5;
	[dreg:$0x4] =	wrdreg s10  }
0xf: {  	s3 =	sadd.s32 $0x128400, s2;
	s13 =	sadd.s32 $0x7800, s5;
	[dreg:$0x5] =	wrdreg s11  }
0x10: {  	s22 =	simm.s32 $0x16100;
	s14 =	sadd.s32 $0xA000, s5;
	[dreg:$0x6] =	wrdreg s13  }
0x11: {  	s15 =	sadd.s32 $0xC800, s5;
	s16 =	sadd.s32 $0xF000, s5;
	[dreg:$0x7] =	wrdreg s14  }
0x12: {  	s25 =	sadd.s32 $0x4E2F0, s24;
	[dreg:$0x8] =	wrdreg s15;
	s8 =	sshrl.u32 s8, $0x3  }
0x13: {  	[dreg:$0x9] =	wrdreg s16;
	s10 =	sadd.s32 $0x11800, s5;
	s13 =	sadd.s32 s6, s8  }
0x14: {  	s26 =	sshrl.u32 s25, $0x3;
	[dreg:$0xa] =	wrdreg s10;
	s19 =	sadd.s32 $0x9C40, s13  }
0x15: {  	s8 =	sadd.s32 s18, s17;
	s20 =	sadd.s32 $0x9C4A, s13;
	[dreg:$0xb] =	wrdreg s19  }
0x16: {  	s11 =	sadd.s32 $0xA118, s13;
	s8 =	sshrl.u32 s8, $0x3;
	[dreg:$0xc] =	wrdreg s20  }
0x17: {  	s10 =	simm.s32 $0x0;
	[dreg:$0xd] =	wrdreg s11;
	s17 =	sadd.s32 s0, s8  }
0x18: {  	s0 =	sadd.s32 s0, s9;
	s8 =	sadd.s32 s23, s2;
	s19 =	smax.u32 s7, $0x1  }
0x19: {  	s20 =	sadd.s32 s26, s6;
	s23 =	simm.s32 $0x7;
	s26 =	simm.s32 $0x13880  }
0x1a: {  	s7 =	simm.s32 $0x6;
	s9 =	simm.s32 $0x4;
	s18 =	sadd.s32 $0x25080, s0  }
0x1b: {  	s0 =	sadd.s32 $0x4E2A0, s24;
	s24 =	sshrl.u32 @p0 s3, $0x3;
	s25 =	sshrl.u32 @!p0 s8, $0x3  }
0x1c: {  	s3 =	simm.s32 $0x18900;
	s8 =	simm.s32 $0x3;
	s0 =	sshrl.u32 s0, $0x3  }
0x1d: {  	v0 =	vimm.f32 $0.0e+00;
	s21 =	sadd.s32 s0, s6;
	s0 =	simm.s32 $0x16080;
	s6 =	simm.s32 $0x2  }
.LBB2_1:
0x1e: {  	s11 =	simm.s32 $0x0;
	s12 =	simm.s32 $0x200  }
.LBB2_2:
0x1f: {  	p1 =	sne.s32 s12, $0x9E00;
	[tilespmem:s11+$0x16170] =	vst v0  }
0x20: {  	[tilespmem:s11+$0x16100] =	vst v0  }
0x21: {  	[tilespmem:s11+$0x16110] =	vst v0  }
.Ltmp0:
0x22: {  	[tilespmem:s11+$0x16120] =	vst v0;
	(pc) =	sbr.rel @p1 .LBB2_2-.Ltmp0, $4  }
0x23: {  	[tilespmem:s11+$0x16130] =	vst v0  }
0x24: {  	[tilespmem:s11+$0x16140] =	vst v0  }
0x25: {  	[tilespmem:s11+$0x16150] =	vst v0  }
0x26: {  	[tilespmem:s11+$0x16160] =	vst v0;
	s11 =	sshra.s32 s12, $0x2;
	s12 =	sadd.s32 $0x200, s12  }
0x27: {  	[tilespmem:s11+$0x16170] =	vst v0  }
0x28: {  	[tilespmem:s11+$0x16100] =	vst v0  }
0x29: {  	[tilespmem:s11+$0x16110] =	vst v0  }
0x2a: {  	[tilespmem:s11+$0x16120] =	vst v0  }
0x2b: {  	[tilespmem:s11+$0x16130] =	vst v0  }
0x2c: {  	[tilespmem:s11+$0x16140] =	vst v0  }
0x2d: {  	[tilespmem:s11+$0x16150] =	vst v0  }
0x2e: {  	[tilespmem:s11+$0x16160] =	vst v0  }
0x2f: {  	[spmem:s5] =	stream.linear.scatter [tilespmem:s22], [sflag:$0x7], $0x2800, $0x38;
	[tilespmem:$0x1B100] =	vst v63  }
0x30: {  	_ =	swait.ge [sflag:s23], $0x2800  }
0x31: {  	[sflag:s23] =	ssyncset.done $0x0  }
0x32: {  	s16 =	rddreg [dreg:$0x4];
	[sflag:s23] =	ssyncadd.s32 $0xFFFFD800  }
0x33: {  	[spmem:s16] =	stream.linear.scatter [tilespmem:s22], [sflag:$0x7], $0x2800, $0x38;
	[tilespmem:$0x1B100] =	vst v63  }
0x34: {  	_ =	swait.ge [sflag:s23], $0x2800  }
0x35: {  	[sflag:s23] =	ssyncset.done $0x0  }
0x36: {  	s12 =	rddreg [dreg:$0x5];
	[sflag:s23] =	ssyncadd.s32 $0xFFFFD800  }
0x37: {  	[spmem:s12] =	stream.linear.scatter [tilespmem:s22], [sflag:$0x7], $0x2800, $0x38;
	[tilespmem:$0x1B100] =	vst v63  }
0x38: {  	_ =	swait.ge [sflag:s23], $0x2800  }
0x39: {  	[sflag:s23] =	ssyncset.done $0x0  }
0x3a: {  	s14 =	rddreg [dreg:$0x6];
	[sflag:s23] =	ssyncadd.s32 $0xFFFFD800  }
0x3b: {  	[spmem:s14] =	stream.linear.scatter [tilespmem:s22], [sflag:$0x7], $0x2800, $0x38;
	[tilespmem:$0x1B100] =	vst v63  }
0x3c: {  	_ =	swait.ge [sflag:s23], $0x2800  }
0x3d: {  	[sflag:s23] =	ssyncset.done $0x0  }
0x3e: {  	s15 =	rddreg [dreg:$0x7];
	[sflag:s23] =	ssyncadd.s32 $0xFFFFD800  }
0x3f: {  	[spmem:s15] =	stream.linear.scatter [tilespmem:s22], [sflag:$0x7], $0x2800, $0x38;
	[tilespmem:$0x1B100] =	vst v63  }
0x40: {  	_ =	swait.ge [sflag:s23], $0x2800  }
0x41: {  	[sflag:s23] =	ssyncset.done $0x0  }
0x42: {  	s16 =	rddreg [dreg:$0x8];
	[sflag:s23] =	ssyncadd.s32 $0xFFFFD800  }
0x43: {  	[spmem:s16] =	stream.linear.scatter [tilespmem:s22], [sflag:$0x7], $0x2800, $0x38;
	[tilespmem:$0x1B100] =	vst v63  }
0x44: {  	_ =	swait.ge [sflag:s23], $0x2800  }
0x45: {  	[sflag:s23] =	ssyncset.done $0x0  }
0x46: {  	s12 =	rddreg [dreg:$0x9];
	[sflag:s23] =	ssyncadd.s32 $0xFFFFD800  }
0x47: {  	[spmem:s12] =	stream.linear.scatter [tilespmem:s22], [sflag:$0x7], $0x2800, $0x38;
	[tilespmem:$0x1B100] =	vst v63  }
0x48: {  	_ =	swait.ge [sflag:s23], $0x2800  }
0x49: {  	[sflag:s23] =	ssyncset.done $0x0  }
0x4a: {  	s14 =	rddreg [dreg:$0xa];
	[sflag:s23] =	ssyncadd.s32 $0xFFFFD800  }
0x4b: {  	[spmem:s14] =	stream.linear.scatter [tilespmem:s22], [sflag:$0x7], $0x2080, $0x38;
	[tilespmem:$0x1B100] =	vst v63  }
0x4c: {  	_ =	swait.ge [sflag:s23], $0x2080  }
0x4d: {  	[sflag:s23] =	ssyncset.done $0x0  }
0x4e: {  	[sflag:s23] =	ssyncadd.s32 $0xFFFFDF80  }
0x4f: {  	s15 =	simm.s32 $0x0;
	[bflag:$0x0] =	sbarrier.arrive $0xFFFF  }
0x50: {  	[tilespmem:s26], [sflag:$0x7] =	stream.linear.gather [hbm4b:s13+s15], $0x2710, $0x38;
	[tilespmem:$0x1B100] =	vst v63  }
0x51: {  	_ =	swait.ge [sflag:s23], $0x2710  }
0x52: {  	[sflag:s23] =	ssyncset.done $0x0  }
0x53: {  	s12 =	rddreg [dreg:$0xb];
	[sflag:s23] =	ssyncadd.s32 $0xFFFFD8F0  }
0x54: {  	[tilespmem:s28], [sflag:$0x5] =	stream.linear.gather [hbm4b:s12+s15], $0x50, $0x38;
	[tilespmem:$0x1B100] =	vst v63  }
0x55: {  	_ = 	snop  }
0x56: {  	[tilespmem:s22], [sflag:$0x1] =	stream.indirect.gather [hbm4b:s1+s29], $0x80, s26, s29, $0xb8;
	[tilespmem:$0x1B100] =	vst v63  }
0x57: {  	_ =	swait.ge [sflag:s30], $0x2800  }
0x58: {  	[sflag:s30] =	ssyncset.done $0x0  }
0x59: {  	[sflag:s30] =	ssyncadd.s32 $0xFFFFD800  }
0x5a: {  	_ =	swait.ge [sflag:s31], $0x50  }
0x5b: {  	[sflag:s31] =	ssyncset.done $0x0  }
0x5c: {  	[sflag:s31] =	ssyncadd.s32 $0xFFFFFFB0  }
0x5d: {  	[spmem:s2] =	stream.indirect.scatter.add.f32 [tilespmem:s22], [sflag:$0x3], $0x80, s28, s29, $0xb8;
	[tilespmem:$0x1B100] =	vst v63  }
0x5e: {  	s16 =	rddreg [dreg:$0xc]  }
0x5f: {  	[tilespmem:s0], [sflag:$0x6] =	stream.linear.gather [hbm4b:s16+s15], $0x50, $0x38;
	[tilespmem:$0x1B100] =	vst v63  }
0x60: {  	s12 =	simm.s32 $0x138D0  }
0x61: {  	[tilespmem:s3], [sflag:$0x2] =	stream.indirect.gather [hbm4b:s1+s29], $0x80, s12, s29, $0xb8;
	[tilespmem:$0x1B100] =	vst v63  }
0x62: {  	_ =	swait.ge [sflag:s6], $0x2800  }
0x63: {  	[sflag:s6] =	ssyncset.done $0x0  }
0x64: {  	[sflag:s6] =	ssyncadd.s32 $0xFFFFD800  }
0x65: {  	_ =	swait.ge [sflag:s7], $0x50  }
0x66: {  	[sflag:s7] =	ssyncset.done $0x0  }
0x67: {  	[sflag:s7] =	ssyncadd.s32 $0xFFFFFFB0  }
0x68: {  	[spmem:s2] =	stream.indirect.scatter.add.f32 [tilespmem:s3], [sflag:$0x4], $0x80, s0, s29, $0xb8;
	[tilespmem:$0x1B100] =	vst v63  }
0x69: {  	_ =	swait.ge [sflag:s8], $0x2800  }
0x6a: {  	[sflag:s8] =	ssyncset.done $0x0  }
0x6b: {  	s14 =	sadd.s32 $0x0, s21;
	[sflag:s8] =	ssyncadd.s32 $0xFFFFD800  }
0x6c: {  	[tilespmem:s28], [sflag:$0x5] =	stream.linear.gather [hbm4b:s14+s4], $0x50, $0x38;
	[tilespmem:$0x1B100] =	vst v63  }
0x6d: {  	s15 =	simm.s32 $0x13920  }
0x6e: {  	[tilespmem:s22], [sflag:$0x1] =	stream.indirect.gather [hbm4b:s1+s29], $0x80, s15, s29, $0xb8;
	[tilespmem:$0x1B100] =	vst v63  }
0x6f: {  	_ =	swait.ge [sflag:s30], $0x2800  }
0x70: {  	[sflag:s30] =	ssyncset.done $0x0  }
0x71: {  	[sflag:s30] =	ssyncadd.s32 $0xFFFFD800  }
0x72: {  	_ =	swait.ge [sflag:s31], $0x50  }
0x73: {  	[sflag:s31] =	ssyncset.done $0x0  }
0x74: {  	[sflag:s31] =	ssyncadd.s32 $0xFFFFFFB0  }
0x75: {  	[spmem:s2] =	stream.indirect.scatter.add.f32 [tilespmem:s22], [sflag:$0x3], $0x80, s28, s29, $0xb8;
	[tilespmem:$0x1B100] =	vst v63  }
0x76: {  	_ =	swait.ge [sflag:s9], $0x2800  }
0x77: {  	s11 =	simm.s32 $0x13970;
	s16 =	sadd.s32 $0x0, s20;
	[sflag:s9] =	ssyncset.done $0x0  }
0x78: {  	s12 =	simm.s32 $0x14;
	s14 =	simm.s32 $0x13A10;
	[sflag:s9] =	ssyncadd.s32 $0xFFFFD800  }
0x79: {  	[tilespmem:s0], [sflag:$0x6] =	stream.linear.gather [hbm4b:s16+s4], $0x50, $0x38;
	[tilespmem:$0x1B100] =	vst v63  }
.LBB2_4:
0x7a: {  	[tilespmem:s3], [sflag:$0x2] =	stream.indirect.gather [hbm4b:s1+s29], $0x80, s11, s29, $0xb8;
	[tilespmem:$0x1B100] =	vst v63  }
0x7b: {  	s15 =	smov.u32 s12;
	s11 =	smov.u32 s14  }
0x7c: {  	p1 =	sne.s32 s12, $0x4B0;
	s12 =	sadd.s32 $0x14, s12;
	_ =	swait.ge [sflag:s6], $0x2800  }
0x7d: {  	[sflag:s6] =	ssyncset.done $0x0  }
0x7e: {  	[sflag:s6] =	ssyncadd.s32 $0xFFFFD800  }
0x7f: {  	_ =	swait.ge [sflag:s7], $0x50  }
0x80: {  	[sflag:s7] =	ssyncset.done $0x0  }
0x81: {  	[sflag:s7] =	ssyncadd.s32 $0xFFFFFFB0  }
0x82: {  	[spmem:s2] =	stream.indirect.scatter.add.f32 [tilespmem:s3], [sflag:$0x4], $0x80, s0, s29, $0xb8;
	[tilespmem:$0x1B100] =	vst v63  }
0x83: {  	_ =	swait.ge [sflag:s8], $0x2800  }
0x84: {  	[sflag:s8] =	ssyncset.done $0x0  }
0x85: {  	s16 =	sadd.s32 s15, s21;
	[sflag:s8] =	ssyncadd.s32 $0xFFFFD800  }
0x86: {  	[tilespmem:s28], [sflag:$0x5] =	stream.linear.gather [hbm4b:s16+s4], $0x50, $0x38;
	[tilespmem:$0x1B100] =	vst v63  }
0x87: {  	s16 =	sadd.s32 $0xFFFFFFB0, s14  }
0x88: {  	[tilespmem:s22], [sflag:$0x1] =	stream.indirect.gather [hbm4b:s1+s29], $0x80, s16, s29, $0xb8;
	[tilespmem:$0x1B100] =	vst v63  }
0x89: {  	_ =	swait.ge [sflag:s30], $0x2800  }
0x8a: {  	[sflag:s30] =	ssyncset.done $0x0  }
0x8b: {  	[sflag:s30] =	ssyncadd.s32 $0xFFFFD800  }
0x8c: {  	_ =	swait.ge [sflag:s31], $0x50  }
0x8d: {  	[sflag:s31] =	ssyncset.done $0x0  }
0x8e: {  	[sflag:s31] =	ssyncadd.s32 $0xFFFFFFB0  }
0x8f: {  	[spmem:s2] =	stream.indirect.scatter.add.f32 [tilespmem:s22], [sflag:$0x3], $0x80, s28, s29, $0xb8;
	[tilespmem:$0x1B100] =	vst v63  }
.Ltmp1:
0x90: {  	_ =	swait.ge [sflag:s9], $0x2800;
	(pc) =	sbr.rel @p1 .LBB2_4-.Ltmp1, $4  }
0x91: {  	[sflag:s9] =	ssyncset.done $0x0  }
0x92: {  	s15 =	sadd.s32 s15, s20;
	[sflag:s9] =	ssyncadd.s32 $0xFFFFD800  }
0x93: {  	[tilespmem:s0], [sflag:$0x6] =	stream.linear.gather [hbm4b:s15+s4], $0x50, $0x38;
	[tilespmem:$0x1B100] =	vst v63  }
0x94: {  	s14 =	sadd.s32 $0xA0, s14  }
0x95: {  	[tilespmem:s3], [sflag:$0x2] =	stream.indirect.gather [hbm4b:s1+s29], $0x80, s11, s29, $0xb8;
	[tilespmem:$0x1B100] =	vst v63  }
0x96: {  	_ =	swait.ge [sflag:s6], $0x2800  }
0x97: {  	[sflag:s6] =	ssyncset.done $0x0  }
0x98: {  	[sflag:s6] =	ssyncadd.s32 $0xFFFFD800  }
0x99: {  	_ =	swait.ge [sflag:s7], $0x50  }
0x9a: {  	[sflag:s7] =	ssyncset.done $0x0  }
0x9b: {  	[sflag:s7] =	ssyncadd.s32 $0xFFFFFFB0  }
0x9c: {  	[spmem:s2] =	stream.indirect.scatter.add.f32 [tilespmem:s3], [sflag:$0x4], $0x80, s0, s29, $0xb8;
	[tilespmem:$0x1B100] =	vst v63  }
0x9d: {  	_ =	swait.ge [sflag:s8], $0x2800  }
0x9e: {  	[sflag:s8] =	ssyncset.done $0x0  }
0x9f: {  	s15 =	rddreg [dreg:$0xd];
	[sflag:s8] =	ssyncadd.s32 $0xFFFFD800  }
0xa0: {  	[tilespmem:s28], [sflag:$0x5] =	stream.linear.gather [hbm4b:s15+s4], $0x50, $0x38;
	[tilespmem:$0x1B100] =	vst v63  }
0xa1: {  	s16 =	simm.s32 $0x15F40  }
0xa2: {  	[tilespmem:s22], [sflag:$0x1] =	stream.indirect.gather [hbm4b:s1+s29], $0x80, s16, s29, $0xb8;
	[tilespmem:$0x1B100] =	vst v63  }
0xa3: {  	_ =	swait.ge [sflag:s30], $0x2800  }
0xa4: {  	[sflag:s30] =	ssyncset.done $0x0  }
0xa5: {  	[sflag:s30] =	ssyncadd.s32 $0xFFFFD800  }
0xa6: {  	_ =	swait.ge [sflag:s31], $0x50  }
0xa7: {  	[sflag:s31] =	ssyncset.done $0x0  }
0xa8: {  	[sflag:s31] =	ssyncadd.s32 $0xFFFFFFB0  }
0xa9: {  	[spmem:s2] =	stream.indirect.scatter.add.f32 [tilespmem:s22], [sflag:$0x3], $0x80, s28, s29, $0xb8;
	[tilespmem:$0x1B100] =	vst v63  }
0xaa: {  	_ =	swait.ge [sflag:s9], $0x2800  }
0xab: {  	[sflag:s9] =	ssyncset.done $0x0  }
0xac: {  	[sflag:s9] =	ssyncadd.s32 $0xFFFFD800  }
0xad: {  	_ =	swait.ge [sflag:s8], $0x2800  }
0xae: {  	[sflag:s8] =	ssyncset.done $0x0  }
0xaf: {  	[sflag:s8] =	ssyncadd.s32 $0xFFFFD800  }
0xb0: {  	s11 =	simm.s32 @p0 $0x1FC7;
	[bflag:$0x0] =	sbarrier.arrive $0xFFFF  }
0xb1: {  	[hbm:s18], [sflag:s11] =	dma.local @p0 [spmem:s24], $0x2080  }
0xb2: {  	s11 =	simm.s32 @p0 $0x7  }
0xb3: {  	s12 =	stileid.u32;
	_ =	swait.ge @p0 [sflag:s11], $0x2080  }
0xb4: {  	s10 =	sadd.s32 $0x1, s10;
	s12 =	sshll.u32 @!p0 s12, $0x6;
	[sflag:s11] =	ssyncset.done @p0 $0x0  }
0xb5: {  	p1 =	sne.s32 s10, s19;
	[sflag:s11] =	ssyncadd.s32 @p0 $0xFFFFDF80;
	s11 =	sor.u32 @!p0 $0x1C07, s12  }
0xb6: {  	[hbm:s17], [sflag:s11] =	dma.local @!p0 [spmem:s25], $0x2780  }
.Ltmp2:
0xb7: {  	_ = 	snop;
	(pc) =	sbr.rel @p1 .LBB2_1-.Ltmp2, $4  }
0xb8: {  	s11 =	simm.s32 @!p0 $0x7  }
0xb9: {  	_ =	swait.ge @!p0 [sflag:s11], $0x2780  }
0xba: {  	[sflag:s11] =	ssyncset.done @!p0 $0x0  }
0xbb: {  	[sflag:s11] =	ssyncadd.s32 @!p0 $0xFFFFD880  }
0xbc: {  	_ =	sfence.sel $0x180000  }
0xbd: {  	[bflag:$0x0] =	sbarrier.arrive $0xFFFF  }
0xbe: {  	_ =	strace $0x9000004A  }
0xbf: {  	s0 =	stileid.u32;
	[bflag:$0x2] =	sbarrier.arrive $0xFFFF  }
0xc0: {  	p0 =	sne.s32 s0, $0x0;
	s0 =	rddreg [dreg:$0x3]  }
0xc1: {  	s0 =	sadd.s32 @!p0 $0x100000, s0  }
0xc2: {  	[sflag:s0] =	ssyncadd.tile.s32 @!p0 $0x1;
	_ =	shalt  }
.Lfunc_end2:
_tile_overlayer_lowered:
.L_overlay_start_2:
0xc3: {  	(tag) =	ssettag $0x2  }
0xc4: {  	s0 =	rddreg [dreg:$0x0];
	s2 =	stileid.u32  }
0xc5: {  	s1 =	rddreg [dreg:$0x1];
	p0 =	sne.s32 s2, $0x0  }
0xc6: {  	s3 =	rddreg [dreg:$0x2];
	[bflag:$0x3] =	sbarrier.arrive $0xFFFF;
	s2 =	simm.s32 @!p0 $0x1C07  }
0xc7: {  	[timem:s3], [sflag:s2] =	dma.local @!p0 [hbm:s0], s1  }
0xc8: {  	s0 =	simm.s32 @!p0 $0x7  }
0xc9: {  	_ =	swait.ge @!p0 [sflag:s0], s1  }
0xca: {  	s1 =	ssub.s32 @!p0 $0x0, s1;
	[sflag:s0] =	ssyncset.done @!p0 $0x0  }
0xcb: {  	[sflag:s0] =	ssyncadd.s32 @!p0 s1  }
0xcc: {  	[bflag:$0x3] =	sbarrier.arrive $0xFFFF  }
0xcd: {  	_ =	shalt  }

// kernel: sage_sc_agg_cnt.3.cloned.1.call-start
scs
__scs_entry_jumppad:
0x0: {  	(pc) =	sbr.rel $0x88, $3  }
0x1: {  	(tag) =	ssettag $0x0;
	lr =	simm.s32 $0x1  }
0x2: {  	[smem:$0x3F95] =	sst lr;
	_ =	strace $0xD0000000  }
0x3: {  	_ = 	snop  }
0x4: {  	_ = 	snop  }
0x5: {  	_ = 	snop  }
0x6: {  	_ = 	snop  }
0x7: {  	_ = 	snop  }
__scs_overlays_trampoline_lowered:
0x8: {  	[smem:$0x3FA4] =	sst s0  }
0x9: {  	[smem:$0x3FA5] =	sst s1  }
0xa: {  	[smem:$0x3FA6] =	sst s2  }
0xb: {  	[smem:$0x3FA7] =	sst s3  }
0xc: {  	[smem:$0x3FA8] =	sst s4  }
0xd: {  	[smem:$0x3FA9] =	sst s5  }
0xe: {  	[smem:$0x3FAA] =	sst s6  }
0xf: {  	[smem:$0x3FAB] =	sst s7  }
0x10: {  	[smem:$0x3FAC] =	sst s8  }
0x11: {  	[smem:$0x3FAD] =	sst s9;
	s0 =	simm.s32 @!p0 $0x0  }
0x12: {  	s1 =	sld [smem:$0x3F93];
	s0 =	simm.s32 @p0 $0x1  }
0x13: {  	[smem:$0x3FAE] =	sst s0;
	s0 =	simm.s32 @!p1 $0x0  }
0x14: {  	s2 =	sld [smem:$0x3F92];
	s0 =	simm.s32 @p1 $0x1  }
0x15: {  	[smem:$0x3FAF] =	sst s0;
	s0 =	simm.s32 @!p2 $0x0  }
0x16: {  	s3 =	sld [smem:$0x3FDB];
	s0 =	simm.s32 @p2 $0x1  }
0x17: {  	s4 =	simm.s32 $0x1BF5;
	[smem:$0x3FB1] =	sst s0  }
0x18: {  	s0 =	sld [smem:$0x3F94];
	_ =	swait.ge [sflag:s4], $0x0  }
0x19: {  	s7 =	sld [smem:$0x3F95]  }
0x1a: {  	s8 =	sadd.s32 $0xFFFFE003, lr  }
0x1b: {  	s9 =	sadd.s32 $0xFFFFFEF7, lr;
	s5 =	simm.s32 $0xFFFFFFFF;
	p2 =	slt.u32 s8, $0xFFFFF086  }
0x1c: {  	p1 =	slt.u32 s9, $0xF7A;
	s5 =	simm.s32 @!p2 $0x0  }
0x1d: {  	s5 =	simm.s32 @p1 $0x1;
	p0 =	seq.s32 s7, s2  }
0x1e: {  	s7 =	smul.u32 @!p0 $0xF7A, s2;
	p2 =	seq.s32 @!p0 s5, $0x0  }
0x1f: {  	s9 =	smul.u32 $0xF7A, s1;
	s8 =	simm.s32 @!p0 $0x1BF5;
	p2 =	por !p2, p0  }
0x20: {  	[sflag:s8] =	ssyncset.s32 @!p0 $0xFFFFF086;
	s6 =	sadd.s32 @!p0 s3, s7;
	s7 =	simm.s32 @!p0 $0x108  }
0x21: {  	s3 =	sadd.s32 s3, s9;
	s6 =	sadd.s32 @!p0 $0x88, s6;
	s7 =	simm.s32 @p2 $0x1082  }
0x22: {  	[simem:s7], [sflag:s8] =	dma.local @!p0 [hbm:s6], $0xF7A  }
0x23: {  	s9 =	sor.u32 $0xD0000000, s2;
	s6 =	simm.s32 $0x108;
	_ =	swait.ge @!p0 [sflag:s8], $0x0  }
0x24: {  	s3 =	sadd.s32 $0x88, s3;
	s6 =	simm.s32 @!p1 $0x1082;
	[sflag:s4] =	ssyncset.s32 $0xFFFFF086  }
0x25: {  	[simem:s6], [sflag:s4] =	dma.local [hbm:s3], $0xF7A  }
0x26: {  	[smem:$0x3F95] =	sst s1;
	(tag) =	ssettag s2;
	_ =	strace s9  }
0x27: {  	s1 =	sld [smem:$0x3FA5]  }
0x28: {  	s2 =	sld [smem:$0x3FA6]  }
0x29: {  	s4 =	sld [smem:$0x3FA8]  }
0x2a: {  	p0 =	seq.s32 s5, $0x0;
	s5 =	sld [smem:$0x3FA9]  }
0x2b: {  	s6 =	sld [smem:$0x3FAA]  }
0x2c: {  	s7 =	sld [smem:$0x3FAB]  }
0x2d: {  	s3 =	simm.s32 $0x108;
	s8 =	sld [smem:$0x3FAC]  }
0x2e: {  	s3 =	simm.s32 @!p0 $0x1082;
	s9 =	sld [smem:$0x3FAD]  }
0x2f: {  	lr =	sadd.s32 s0, s3;
	s0 =	sld [smem:$0x3FA4]  }
0x30: {  	s3 =	sld [smem:$0x3FA7]  }
0x31: {  	[smem:$0x3FB0] =	sst s10  }
0x32: {  	s10 =	sld [smem:$0x3FAE];
	_ =	sdelay $0x3  }
0x33: {  	p0 =	seq.s32 s10, $0x1;
	s10 =	sld [smem:$0x3FB0];
	_ =	sdelay $0x3  }
0x34: {  	[smem:$0x3FB0] =	sst s10  }
0x35: {  	s10 =	sld [smem:$0x3FAF];
	_ =	sdelay $0x3  }
0x36: {  	p1 =	seq.s32 s10, $0x1;
	s10 =	sld [smem:$0x3FB0];
	_ =	sdelay $0x3  }
0x37: {  	[smem:$0x3FB0] =	sst s10  }
0x38: {  	s10 =	sld [smem:$0x3FB1]  }
0x39: {  	_ = 	snop;
	(pc) =	sbr.ind lr, $3  }
0x3a: {  	_ = 	snop  }
0x3b: {  	_ = 	snop  }
0x3c: {  	p2 =	seq.s32 s10, $0x1;
	s10 =	sld [smem:$0x3FB0]  }
0x3d: {  	_ =	shalt  }
0x3e: {  	_ =	shalt  }
0x3f: {  	_ =	shalt  }
0x40: {  	_ =	shalt  }
0x41: {  	_ =	shalt  }
0x42: {  	_ =	shalt  }
0x43: {  	_ =	shalt  }
0x44: {  	_ =	shalt  }
0x45: {  	_ =	shalt  }
0x46: {  	_ =	shalt  }
0x47: {  	_ =	shalt  }
0x48: {  	_ =	shalt  }
0x49: {  	_ =	shalt  }
0x4a: {  	_ =	shalt  }
0x4b: {  	_ =	shalt  }
0x4c: {  	_ =	shalt  }
0x4d: {  	_ =	shalt  }
0x4e: {  	_ =	shalt  }
0x4f: {  	_ =	shalt  }
0x50: {  	_ =	shalt  }
0x51: {  	_ =	shalt  }
0x52: {  	_ =	shalt  }
0x53: {  	_ =	shalt  }
0x54: {  	_ =	shalt  }
0x55: {  	_ =	shalt  }
0x56: {  	_ =	shalt  }
0x57: {  	_ =	shalt  }
0x58: {  	_ =	shalt  }
0x59: {  	_ =	shalt  }
0x5a: {  	_ =	shalt  }
0x5b: {  	_ =	shalt  }
0x5c: {  	_ =	shalt  }
0x5d: {  	_ =	shalt  }
0x5e: {  	_ =	shalt  }
0x5f: {  	_ =	shalt  }
0x60: {  	_ =	shalt  }
0x61: {  	_ =	shalt  }
0x62: {  	_ =	shalt  }
0x63: {  	_ =	shalt  }
0x64: {  	_ =	shalt  }
0x65: {  	_ =	shalt  }
0x66: {  	_ =	shalt  }
0x67: {  	_ =	shalt  }
0x68: {  	_ =	shalt  }
0x69: {  	_ =	shalt  }
0x6a: {  	_ =	shalt  }
0x6b: {  	_ =	shalt  }
0x6c: {  	_ =	shalt  }
0x6d: {  	_ =	shalt  }
0x6e: {  	_ =	shalt  }
0x6f: {  	_ =	shalt  }
0x70: {  	_ =	shalt  }
0x71: {  	_ =	shalt  }
0x72: {  	_ =	shalt  }
0x73: {  	_ =	shalt  }
0x74: {  	_ =	shalt  }
0x75: {  	_ =	shalt  }
0x76: {  	_ =	shalt  }
0x77: {  	_ =	shalt  }
0x78: {  	_ =	shalt  }
0x79: {  	_ =	shalt  }
0x7a: {  	_ =	shalt  }
0x7b: {  	_ =	shalt  }
0x7c: {  	_ =	shalt  }
0x7d: {  	_ =	shalt  }
0x7e: {  	_ =	shalt  }
0x7f: {  	_ =	shalt  }
0x80: {  	_ =	shalt  }
0x81: {  	_ =	shalt  }
0x82: {  	_ =	shalt  }
0x83: {  	_ =	shalt  }
0x84: {  	_ =	shalt  }
0x85: {  	_ =	shalt  }
0x86: {  	_ =	shalt  }
0x87: {  	_ =	shalt  }
.Lfunc_end0:
.L_simem_size_0:
called_computation_lowered:
.L_overlay_start_0:
0x88: {  	s2 =	sld [smem:$0x3FD9]  }
0x89: {  	s3 =	sld [smem:$0x3FFE];
	_ =	sdelay $0x1  }
0x8a: {  	s1 =	srdreg.scid  }
0x8b: {  	s0 =	sand.u32 $0x1, s1  }
0x8c: {  	s17 =	sshll.u32 s0, $0xA;
	s2 =	sadd.s32 s3, s2  }
0x8d: {  	s2 =	sadd.s32 s2, s17  }
0x8e: {  	[smem:$0x3FBC] =	sst s2  }
0x8f: {  	_ = 	snop  }
0x90: {  	s2 =	sld [smem:$0x3FC9]  }
0x91: {  	s18 =	sld [smem:$0x3FD0];
	(tm) =	ssettm $0x1  }
0x92: {  	s4 =	sld [smem:$0x3FFB];
	_ =	sdelay $0x3  }
0x93: {  	_ =	strace s4  }
0x94: {  	s4 =	sld [smem:$0x3FFC];
	_ =	sdelay $0x3  }
0x95: {  	_ =	strace s4  }
0x96: {  	s4 =	sld [smem:$0x3FFD];
	_ =	sdelay $0x3  }
0x97: {  	_ =	strace s4  }
0x98: {  	_ =	strace $0x8FFFFFFF  }
0x99: {  	s19 =	sld [smem:$0x3FDB];
	_ =	sdelay $0x1  }
0x9a: {  	s5 =	simm.s32 $_scs_section_size  }
0x9b: {  	s6 =	simm.s32 $_size__tile_overlayer_lowered;
	s7 =	simm.s32 $_tile_overlayer_lowered  }
0x9c: {  	s22 =	simm.s32 $0x1BFF;
	s21 =	sshll.u32 s7, $0x1;
	s4 =	sadd.s32 s5, s19  }
0x9d: {  	s8 =	simm.s32 $0x0;
	s20 =	sshll.u32 s6, $0x1;
	s6 =	sadd.s32 s21, s4  }
0x9e: {  	[timem:s8], [sflag:s22] =	dma.local [hbm:s6], s20  }
0x9f: {  	_ =	swait.ge [sflag:s22], s20  }
0xa0: {  	s5 =	ssub.s32 $0x0, s20;
	[sflag:s22] =	ssyncset.done $0x0  }
0xa1: {  	[sflag:s22] =	ssyncadd.s32 s5;
	_ =	sdelay $0x1  }
0xa2: {  	s23 =	simm.s32 $0x1B8B  }
0xa3: {  	_ =	swait.ge [sflag:s23], $0x1  }
0xa4: {  	[sflag:s23] =	ssyncset.done $0x0  }
0xa5: {  	s25 =	simm.s32 $0x1B8E;
	s24 =	sld [smem:$0x3FFE];
	[sflag:s23] =	ssyncadd.s32 $0xFFFFFFFF  }
0xa6: {  	s26 =	simm.s32 $execute0_lowered;
	[smem:$0x3FD2] =	sst s25  }
0xa7: {  	s6 =	sshll.u32 s26, $0x1;
	_ =	strace $0x80000046;
	[dreg:$0x1] =	wrdreg $0xFFFFFFFF  }
0xa8: {  	s28 =	simm.s32 $_size_execute0_lowered;
	s4 =	sadd.s32 s4, s6;
	[dreg:$0x0] =	wrdreg $0x0  }
0xa9: {  	s6 =	sshll.u32 s28, $0x1;
	[dreg:$0x2] =	wrdreg s4  }
0xaa: {  	[dreg:$0x3] =	wrdreg s6  }
0xab: {  	[dreg:$0x4] =	wrdreg $0xC0  }
0xac: {  	_ =	task [dreg:s8], $0x5FFFF  }
0xad: {  	[dreg:$0x1] =	wrdreg $0xFFFFFFFF  }
0xae: {  	[dreg:$0x0] =	wrdreg $0x60  }
0xaf: {  	[dreg:$0x2] =	wrdreg s2  }
0xb0: {  	[dreg:$0x3] =	wrdreg s24  }
0xb1: {  	[dreg:$0x4] =	wrdreg s18  }
0xb2: {  	[dreg:$0x5] =	wrdreg $0x0  }
0xb3: {  	[dreg:$0x6] =	wrdreg $0x138800  }
0xb4: {  	[dreg:$0x7] =	wrdreg $0x9  }
0xb5: {  	_ =	task.clear_ibuf [dreg:s8], $0x8FFFF;
	_ =	strace $0x90000046  }
0xb6: {  	s29 =	simm.s32 $0x9;
	_ =	strace $0x80000048  }
0xb7: {  	_ =	swait.ge [sflag:s29], $0x1  }
0xb8: {  	[sflag:s29] =	ssyncadd.s32 $0xFFFFFFFF  }
0xb9: {  	_ =	strace $0x90000048  }
0xba: {  	_ =	sfence  }
0xbb: {  	s30 =	sld [smem:$0x0];
	_ =	sdelay $0x2  }
0xbc: {  	s31 =	sshll.u32 s1, $0xD;
	s1 =	sshrl.u32 s1, $0x2  }
0xbd: {  	s3 =	sand.u32 $0x4000, s31;
	s1 =	sadd.s32 s1, s30  }
0xbe: {  	s0 =	sor.u32 s3, s0;
	s1 =	sshll.u32 s1, $0x11  }
0xbf: {  	s0 =	sor.u32 s1, s0  }
0xc0: {  	s0 =	sadd.s32 $0x8F2B, s0  }
0xc1: {  	[sflag:s0] =	ssyncadd.remote.s32 $0x1  }
0xc2: {  	_ =	sfence.sel $0xFFFF  }
0xc3: {  	[dreg:$0x0] =	wrdreg $0xFFFFFFFF;
	(pc) =	sbr.abs _section_cstart, $3  }
0xc4: {  	[dreg:$0x1] =	wrdreg $0xFFFFFFFF  }
0xc5: {  	_ =	task.clear_ibuf [dreg:s8], $0x2FFFF;
	_ =	strace $0x9FFFFFFF  }
0xc6: {  	(tm) =	ssettm $0x7FFFFFFF  }
0xc7: {  	_ =	shalt  }
tec
execute0_lowered:
.L_overlay_start_1:
0x0: {  	(tag) =	ssettag $0x1  }
0x1: {  	s1 =	rddreg [dreg:$0x0]  }
0x2: {  	s0 =	rddreg [dreg:$0x1]  }
0x3: {  	s4 =	rddreg [dreg:$0x2]  }
0x4: {  	s2 =	rddreg [dreg:$0x3];
	s16 =	stileid.u32  }
0x5: {  	s3 =	rddreg [dreg:$0x4];
	s20 =	smul.u32 $0x4E200, s16  }
0x6: {  	s5 =	simm.s32 $0x0;
	s6 =	srdreg.scid;
	s22 =	smul.u32 $0x1F40, s16  }
0x7: {  	s29 =	simm.s32 $0x16378;
	s30 =	simm.s32 $0x9;
	s26 =	smul.u32 $0x7D0, s16  }
0x8: {  	[smem:$0x7FF] =	sst s5;
	s7 =	sand.u32 $0x1, s6;
	s17 =	smul.u32 $0x13C00, s16  }
0x9: {  	s8 =	sadd.s32 $0x3200, s0;
	s0 =	sadd.s32 $0x16C00, s0;
	s19 =	smul.u32 $0x2710, s16  }
0xa: {  	p0 =	sne.s32 s16, $0xF;
	p1 =	sgt.u32 s16, $0x4;
	s24 =	smul.u32 $0x138800, s7  }
0xb: {  	_ =	strace $0x80000047;
	s9 =	sshll.u32 s7, $0x4;
	s31 =	smul.u32 $0x2710, s7  }
0xc: {  	s10 =	ssub.s32 $0x2, s7;
	s7 =	smul.u32 $0x27100, s7;
	s6 =	sshrl.u32 s20, $0x2  }
0xd: {  	p2 =	sgt.u32 @p0 s16, $0x4;
	s9 =	sor.u32 s16, s9;
	s6 =	sadd.s32 s6, s2  }
0xe: {  	s11 =	sshrl.u32 s10, $0x1;
	s20 =	smul.u32 $0x4F000, s16;
	s21 =	sadd.s32 $0x2800, s6  }
0xf: {  	p2 =	por p2, !p0;
	s12 =	sadd.s32 $0x5000, s6;
	[dreg:$0x6] =	wrdreg s21  }
0x10: {  	s16 =	simm.s32 $0x5;
	s23 =	sadd.s32 $0x7800, s6;
	[dreg:$0x7] =	wrdreg s12  }
0x11: {  	s9 =	smul.u32 $0x2710, s9;
	s13 =	sadd.s32 $0xA000, s6;
	[dreg:$0x8] =	wrdreg s23  }
0x12: {  	s10 =	ssub.s32 s10, s11;
	s25 =	sadd.s32 $0xC800, s6;
	[dreg:$0x9] =	wrdreg s13  }
0x13: {  	s11 =	sshrl.u32 s22, $0x2;
	s14 =	sadd.s32 $0xF000, s6;
	[dreg:$0xa] =	wrdreg s25  }
0x14: {  	s7 =	sadd.s32 s19, s7;
	s15 =	sadd.s32 $0x11800, s6;
	[dreg:$0xb] =	wrdreg s14  }
0x15: {  	s19 =	simm.s32 $0x0;
	s11 =	sadd.s32 s11, s3;
	[dreg:$0xc] =	wrdreg s15  }
0x16: {  	[dreg:$0xd] =	wrdreg s11;
	s9 =	sshrl.u32 s9, $0x3;
	s14 =	sadd.s32 s26, s31  }
0x17: {  	s11 =	sadd.s32 s17, s24;
	s23 =	sshrl.u32 s24, $0x3;
	s24 =	sadd.s32 $0x4E2F0, s7  }
0x18: {  	s25 =	sadd.s32 s26, s3;
	s7 =	sadd.s32 $0x4E2A0, s7;
	s31 =	smax.u32 s10, $0x1  }
0x19: {  	s10 =	simm.s32 $0x162F8;
	s12 =	simm.s32 $0x2;
	s13 =	simm.s32 $0x8  }
0x1a: {  	s17 =	simm.s32 $0x4;
	s15 =	sadd.s32 s8, s9;
	s18 =	sshrl.u32 s14, $0x3  }
0x1b: {  	s22 =	sshrl.u32 s11, $0x3;
	[dreg:$0x11] =	wrdreg s25;
	s26 =	sshrl.u32 s7, $0x3  }
0x1c: {  	[dreg:$0x13] =	wrdreg s31;
	s7 =	simm.s32 $0x1;
	s11 =	simm.s32 $0x18B78  }
0x1d: {  	s14 =	simm.s32 $0x3;
	s4 =	sadd.s32 s4, s18;
	s21 =	sadd.s32 $0x9C40, s15  }
0x1e: {  	s9 =	sadd.s32 s0, s22;
	s0 =	sadd.s32 s0, s23;
	[dreg:$0xe] =	wrdreg s4  }
0x1f: {  	s22 =	sadd.s32 s26, s8;
	s26 =	sadd.s32 $0x9C4A, s15;
	[dreg:$0xf] =	wrdreg s21  }
0x20: {  	s28 =	sadd.s32 $0xA118, s15;
	s18 =	simm.s32 $0x6;
	[dreg:$0x10] =	wrdreg s9  }
0x21: {  	s4 =	sshrl.u32 s20, $0x2;
	s9 =	sshrl.u32 s24, $0x3;
	s0 =	sadd.s32 $0x25080, s0  }
0x22: {  	s4 =	sadd.s32 s4, s2;
	[dreg:$0x12] =	wrdreg s0;
	s21 =	sadd.s32 s9, s8  }
0x23: {  	s0 =	sadd.s32 $0x128400, s2;
	s8 =	simm.s32 $0x7;
	s4 =	sshrl.u32 @p0 s4, $0x3  }
0x24: {  	s9 =	simm.s32 $0x1B378;
	s0 =	sshrl.u32 @!p0 s0, $0x3;
	[dreg:$0x14] =	wrdreg s4  }
0x25: {  	v0 =	vimm.f32 $0.0e+00;
	v1 =	vimm.f32 $1.000000000e+00;
	[dreg:$0x15] =	wrdreg s0;
	s0 =	simm.s32 $0x16278;
	s4 =	simm.s32 $0x50  }
.LBB2_1:
0x26: {  	s20 =	simm.s32 $0x0;
	s23 =	simm.s32 $0x200  }
.LBB2_2:
0x27: {  	p3 =	sne.s32 s23, $0x9E00;
	[tilespmem:s20+$0x163E8] =	vst v0  }
0x28: {  	[tilespmem:s20+$0x16378] =	vst v0  }
0x29: {  	[tilespmem:s20+$0x16388] =	vst v0  }
.Ltmp0:
0x2a: {  	[tilespmem:s20+$0x16398] =	vst v0;
	(pc) =	sbr.rel @p3 .LBB2_2-.Ltmp0, $4  }
0x2b: {  	[tilespmem:s20+$0x163A8] =	vst v0  }
0x2c: {  	[tilespmem:s20+$0x163B8] =	vst v0  }
0x2d: {  	[tilespmem:s20+$0x163C8] =	vst v0  }
0x2e: {  	[tilespmem:s20+$0x163D8] =	vst v0;
	s20 =	sshra.s32 s23, $0x2;
	s23 =	sadd.s32 $0x200, s23  }
0x2f: {  	[tilespmem:s20+$0x163E8] =	vst v0  }
0x30: {  	[tilespmem:s20+$0x16378] =	vst v0  }
0x31: {  	[tilespmem:s20+$0x16388] =	vst v0  }
0x32: {  	[tilespmem:s20+$0x16398] =	vst v0  }
0x33: {  	[tilespmem:s20+$0x163A8] =	vst v0  }
0x34: {  	[tilespmem:s20+$0x163B8] =	vst v0  }
0x35: {  	[tilespmem:s20+$0x163C8] =	vst v0  }
0x36: {  	[tilespmem:s20+$0x163D8] =	vst v0  }
0x37: {  	[spmem:s6] =	stream.linear.scatter [tilespmem:s29], [sflag:$0x9], $0x2800, $0x38;
	[tilespmem:$0x1BBF8] =	vst v63  }
0x38: {  	_ =	swait.ge [sflag:s30], $0x2800  }
0x39: {  	[sflag:s30] =	ssyncset.done $0x0  }
0x3a: {  	s24 =	rddreg [dreg:$0x6];
	[sflag:s30] =	ssyncadd.s32 $0xFFFFD800  }
0x3b: {  	[spmem:s24] =	stream.linear.scatter [tilespmem:s29], [sflag:$0x9], $0x2800, $0x38;
	[tilespmem:$0x1BBF8] =	vst v63  }
0x3c: {  	_ =	swait.ge [sflag:s30], $0x2800  }
0x3d: {  	[sflag:s30] =	ssyncset.done $0x0  }
0x3e: {  	s25 =	rddreg [dreg:$0x7];
	[sflag:s30] =	ssyncadd.s32 $0xFFFFD800  }
0x3f: {  	[spmem:s25] =	stream.linear.scatter [tilespmem:s29], [sflag:$0x9], $0x2800, $0x38;
	[tilespmem:$0x1BBF8] =	vst v63  }
0x40: {  	_ =	swait.ge [sflag:s30], $0x2800  }
0x41: {  	[sflag:s30] =	ssyncset.done $0x0  }
0x42: {  	s31 =	rddreg [dreg:$0x8];
	[sflag:s30] =	ssyncadd.s32 $0xFFFFD800  }
0x43: {  	[spmem:s31] =	stream.linear.scatter [tilespmem:s29], [sflag:$0x9], $0x2800, $0x38;
	[tilespmem:$0x1BBF8] =	vst v63  }
0x44: {  	_ =	swait.ge [sflag:s30], $0x2800  }
0x45: {  	[sflag:s30] =	ssyncset.done $0x0  }
0x46: {  	s23 =	rddreg [dreg:$0x9];
	[sflag:s30] =	ssyncadd.s32 $0xFFFFD800  }
0x47: {  	[spmem:s23] =	stream.linear.scatter [tilespmem:s29], [sflag:$0x9], $0x2800, $0x38;
	[tilespmem:$0x1BBF8] =	vst v63  }
0x48: {  	_ =	swait.ge [sflag:s30], $0x2800  }
0x49: {  	[sflag:s30] =	ssyncset.done $0x0  }
0x4a: {  	s24 =	rddreg [dreg:$0xa];
	[sflag:s30] =	ssyncadd.s32 $0xFFFFD800  }
0x4b: {  	[spmem:s24] =	stream.linear.scatter [tilespmem:s29], [sflag:$0x9], $0x2800, $0x38;
	[tilespmem:$0x1BBF8] =	vst v63  }
0x4c: {  	_ =	swait.ge [sflag:s30], $0x2800  }
0x4d: {  	[sflag:s30] =	ssyncset.done $0x0  }
0x4e: {  	s25 =	rddreg [dreg:$0xb];
	[sflag:s30] =	ssyncadd.s32 $0xFFFFD800  }
0x4f: {  	[spmem:s25] =	stream.linear.scatter [tilespmem:s29], [sflag:$0x9], $0x2800, $0x38;
	[tilespmem:$0x1BBF8] =	vst v63  }
0x50: {  	_ =	swait.ge [sflag:s30], $0x2800  }
0x51: {  	[sflag:s30] =	ssyncset.done $0x0  }
0x52: {  	s31 =	rddreg [dreg:$0xc];
	[sflag:s30] =	ssyncadd.s32 $0xFFFFD800  }
0x53: {  	[spmem:s31] =	stream.linear.scatter [tilespmem:s29], [sflag:$0x9], $0x2080, $0x38;
	[tilespmem:$0x1BBF8] =	vst v63  }
0x54: {  	_ =	swait.ge [sflag:s30], $0x2080  }
0x55: {  	[sflag:s30] =	ssyncset.done $0x0  }
0x56: {  	s20 =	simm.s32 $0x40;
	s23 =	simm.s32 $0x0;
	[sflag:s30] =	ssyncadd.s32 $0xFFFFDF80  }
.LBB2_4:
0x57: {  	p3 =	sne.s32 s20, $0x1F00;
	[tilespmem:s23+$0x1B3F8] =	vst v0;
	s23 =	smov.u32 s20;
	s20 =	sadd.s32 $0x40, s20  }
.Ltmp1:
0x58: {  	(pc) =	sbr.rel @p3 .LBB2_4-.Ltmp1, $2  }
0x59: {  	_ =	sdelay $0x2  }
0x5a: {  	s23 =	sshra.s32 s23, $0x2  }
0x5b: {  	[tilespmem:s23+$0x1B3F8] =	vst v0;
	s20 =	simm.s32 @!p1 $0x1B3F8;
	s23 =	rddreg [dreg:$0xd]  }
0x5c: {  	[spmem:s23] =	stream.linear.scatter @!p1 [tilespmem:s20], [sflag:$0x9], $0x7D0, $0x38;
	[tilespmem:$0x1BBF8] =	vst v63  }
0x5d: {  	s20 =	simm.s32 @!p1 $0x9  }
0x5e: {  	_ =	swait.ge @!p1 [sflag:s20], $0x7D0  }
0x5f: {  	[sflag:s20] =	ssyncset.done @!p1 $0x0  }
0x60: {  	[sflag:s20] =	ssyncadd.s32 @!p1 $0xFFFFF830  }
0x61: {  	[tilespmem:$0x1B378] =	vst v1  }
0x62: {  	[tilespmem:$0x1B388] =	vst v1  }
0x63: {  	[tilespmem:$0x1B398] =	vst v1  }
0x64: {  	[tilespmem:$0x1B3A8] =	vst v1  }
0x65: {  	[tilespmem:$0x1B3B8] =	vst v1  }
0x66: {  	s25 =	simm.s32 $0x0;
	s24 =	simm.s32 $0x13AF8;
	[bflag:$0x0] =	sbarrier.arrive $0xFFFF  }
0x67: {  	[tilespmem:s24], [sflag:$0x9] =	stream.linear.gather [hbm4b:s15+s25], $0x2710, $0x38;
	[tilespmem:$0x1BBF8] =	vst v63  }
0x68: {  	_ =	swait.ge [sflag:s30], $0x2710  }
0x69: {  	[sflag:s30] =	ssyncset.done $0x0  }
0x6a: {  	s31 =	rddreg [dreg:$0xf];
	[sflag:s30] =	ssyncadd.s32 $0xFFFFD8F0  }
0x6b: {  	[tilespmem:s0], [sflag:$0x7] =	stream.linear.gather [hbm4b:s31+s25], $0x50, $0x38;
	[tilespmem:$0x1BBF8] =	vst v63  }
0x6c: {  	_ = 	snop  }
0x6d: {  	[tilespmem:s29], [sflag:$0x1] =	stream.indirect.gather [hbm4b:s1+s4], $0x80, s24, s4, $0xb8;
	[tilespmem:$0x1BBF8] =	vst v63  }
0x6e: {  	_ =	swait.ge [sflag:s7], $0x2800  }
0x6f: {  	[sflag:s7] =	ssyncset.done $0x0  }
0x70: {  	[sflag:s7] =	ssyncadd.s32 $0xFFFFD800  }
0x71: {  	_ =	swait.ge [sflag:s8], $0x50  }
0x72: {  	[sflag:s8] =	ssyncset.done $0x0  }
0x73: {  	[sflag:s8] =	ssyncadd.s32 $0xFFFFFFB0  }
0x74: {  	[spmem:s2] =	stream.indirect.scatter.add.f32 [tilespmem:s29], [sflag:$0x3], $0x80, s0, s4, $0xb8;
	[tilespmem:$0x1BBF8] =	vst v63  }
0x75: {  	_ = 	snop  }
0x76: {  	[spmem:s3] =	stream.indirect.scatter.add.f32 [tilespmem:s9], [sflag:$0x5], $0x1, s0, s4, $0xb8;
	[tilespmem:$0x1BBF8] =	vst v63  }
0x77: {  	_ = 	snop  }
0x78: {  	[tilespmem:s10], [sflag:$0x8] =	stream.linear.gather [hbm4b:s26+s25], $0x50, $0x38;
	[tilespmem:$0x1BBF8] =	vst v63  }
0x79: {  	s23 =	simm.s32 $0x13B48  }
0x7a: {  	[tilespmem:s11], [sflag:$0x2] =	stream.indirect.gather [hbm4b:s1+s4], $0x80, s23, s4, $0xb8;
	[tilespmem:$0x1BBF8] =	vst v63  }
0x7b: {  	_ =	swait.ge [sflag:s12], $0x2800  }
0x7c: {  	[sflag:s12] =	ssyncset.done $0x0  }
0x7d: {  	[sflag:s12] =	ssyncadd.s32 $0xFFFFD800  }
0x7e: {  	_ =	swait.ge [sflag:s13], $0x50  }
0x7f: {  	[sflag:s13] =	ssyncset.done $0x0  }
0x80: {  	[sflag:s13] =	ssyncadd.s32 $0xFFFFFFB0  }
0x81: {  	[spmem:s2] =	stream.indirect.scatter.add.f32 [tilespmem:s11], [sflag:$0x4], $0x80, s10, s4, $0xb8;
	[tilespmem:$0x1BBF8] =	vst v63  }
0x82: {  	_ = 	snop  }
0x83: {  	[spmem:s3] =	stream.indirect.scatter.add.f32 [tilespmem:s9], [sflag:$0x6], $0x1, s10, s4, $0xb8;
	[tilespmem:$0x1BBF8] =	vst v63  }
0x84: {  	_ =	swait.ge [sflag:s14], $0x2800  }
0x85: {  	[sflag:s14] =	ssyncset.done $0x0  }
0x86: {  	[sflag:s14] =	ssyncadd.s32 $0xFFFFD800  }
0x87: {  	_ =	swait.ge [sflag:s16], $0x50  }
0x88: {  	[sflag:s16] =	ssyncset.done $0x0  }
0x89: {  	s24 =	sadd.s32 $0x0, s22;
	[sflag:s16] =	ssyncadd.s32 $0xFFFFFFB0  }
0x8a: {  	[tilespmem:s0], [sflag:$0x7] =	stream.linear.gather [hbm4b:s24+s5], $0x50, $0x38;
	[tilespmem:$0x1BBF8] =	vst v63  }
0x8b: {  	s25 =	simm.s32 $0x13B98  }
0x8c: {  	[tilespmem:s29], [sflag:$0x1] =	stream.indirect.gather [hbm4b:s1+s4], $0x80, s25, s4, $0xb8;
	[tilespmem:$0x1BBF8] =	vst v63  }
0x8d: {  	_ =	swait.ge [sflag:s7], $0x2800  }
0x8e: {  	[sflag:s7] =	ssyncset.done $0x0  }
0x8f: {  	[sflag:s7] =	ssyncadd.s32 $0xFFFFD800  }
0x90: {  	_ =	swait.ge [sflag:s8], $0x50  }
0x91: {  	[sflag:s8] =	ssyncset.done $0x0  }
0x92: {  	[sflag:s8] =	ssyncadd.s32 $0xFFFFFFB0  }
0x93: {  	[spmem:s2] =	stream.indirect.scatter.add.f32 [tilespmem:s29], [sflag:$0x3], $0x80, s0, s4, $0xb8;
	[tilespmem:$0x1BBF8] =	vst v63  }
0x94: {  	_ = 	snop  }
0x95: {  	[spmem:s3] =	stream.indirect.scatter.add.f32 [tilespmem:s9], [sflag:$0x5], $0x1, s0, s4, $0xb8;
	[tilespmem:$0x1BBF8] =	vst v63  }
0x96: {  	_ =	swait.ge [sflag:s17], $0x2800  }
0x97: {  	[sflag:s17] =	ssyncset.done $0x0  }
0x98: {  	[sflag:s17] =	ssyncadd.s32 $0xFFFFD800  }
0x99: {  	_ =	swait.ge [sflag:s18], $0x50  }
0x9a: {  	s20 =	simm.s32 $0x13BE8;
	s31 =	sadd.s32 $0x0, s21;
	[sflag:s18] =	ssyncset.done $0x0  }
0x9b: {  	s23 =	simm.s32 $0x14;
	s24 =	simm.s32 $0x13C88;
	[sflag:s18] =	ssyncadd.s32 $0xFFFFFFB0  }
0x9c: {  	[tilespmem:s10], [sflag:$0x8] =	stream.linear.gather [hbm4b:s31+s5], $0x50, $0x38;
	[tilespmem:$0x1BBF8] =	vst v63  }
.LBB2_6:
0x9d: {  	[tilespmem:s11], [sflag:$0x2] =	stream.indirect.gather [hbm4b:s1+s4], $0x80, s20, s4, $0xb8;
	[tilespmem:$0x1BBF8] =	vst v63  }
0x9e: {  	s31 =	smov.u32 s23;
	s20 =	smov.u32 s24  }
0x9f: {  	p3 =	sne.s32 s23, $0x4B0;
	s23 =	sadd.s32 $0x14, s23;
	_ =	swait.ge [sflag:s12], $0x2800  }
0xa0: {  	[sflag:s12] =	ssyncset.done $0x0  }
0xa1: {  	[sflag:s12] =	ssyncadd.s32 $0xFFFFD800  }
0xa2: {  	_ =	swait.ge [sflag:s13], $0x50  }
0xa3: {  	[sflag:s13] =	ssyncset.done $0x0  }
0xa4: {  	[sflag:s13] =	ssyncadd.s32 $0xFFFFFFB0  }
0xa5: {  	[spmem:s2] =	stream.indirect.scatter.add.f32 [tilespmem:s11], [sflag:$0x4], $0x80, s10, s4, $0xb8;
	[tilespmem:$0x1BBF8] =	vst v63  }
0xa6: {  	_ = 	snop  }
0xa7: {  	[spmem:s3] =	stream.indirect.scatter.add.f32 [tilespmem:s9], [sflag:$0x6], $0x1, s10, s4, $0xb8;
	[tilespmem:$0x1BBF8] =	vst v63  }
0xa8: {  	_ =	swait.ge [sflag:s14], $0x2800  }
0xa9: {  	[sflag:s14] =	ssyncset.done $0x0  }
0xaa: {  	[sflag:s14] =	ssyncadd.s32 $0xFFFFD800  }
0xab: {  	_ =	swait.ge [sflag:s16], $0x50  }
0xac: {  	[sflag:s16] =	ssyncset.done $0x0  }
0xad: {  	s25 =	sadd.s32 s31, s22;
	[sflag:s16] =	ssyncadd.s32 $0xFFFFFFB0  }
0xae: {  	[tilespmem:s0], [sflag:$0x7] =	stream.linear.gather [hbm4b:s25+s5], $0x50, $0x38;
	[tilespmem:$0x1BBF8] =	vst v63  }
0xaf: {  	s25 =	sadd.s32 $0xFFFFFFB0, s24  }
0xb0: {  	[tilespmem:s29], [sflag:$0x1] =	stream.indirect.gather [hbm4b:s1+s4], $0x80, s25, s4, $0xb8;
	[tilespmem:$0x1BBF8] =	vst v63  }
0xb1: {  	_ =	swait.ge [sflag:s7], $0x2800  }
0xb2: {  	[sflag:s7] =	ssyncset.done $0x0  }
0xb3: {  	[sflag:s7] =	ssyncadd.s32 $0xFFFFD800  }
0xb4: {  	_ =	swait.ge [sflag:s8], $0x50  }
0xb5: {  	[sflag:s8] =	ssyncset.done $0x0  }
0xb6: {  	[sflag:s8] =	ssyncadd.s32 $0xFFFFFFB0  }
0xb7: {  	[spmem:s2] =	stream.indirect.scatter.add.f32 [tilespmem:s29], [sflag:$0x3], $0x80, s0, s4, $0xb8;
	[tilespmem:$0x1BBF8] =	vst v63  }
0xb8: {  	_ = 	snop  }
0xb9: {  	[spmem:s3] =	stream.indirect.scatter.add.f32 [tilespmem:s9], [sflag:$0x5], $0x1, s0, s4, $0xb8;
	[tilespmem:$0x1BBF8] =	vst v63  }
0xba: {  	_ =	swait.ge [sflag:s17], $0x2800  }
0xbb: {  	[sflag:s17] =	ssyncset.done $0x0  }
0xbc: {  	[sflag:s17] =	ssyncadd.s32 $0xFFFFD800  }
.Ltmp2:
0xbd: {  	_ =	swait.ge [sflag:s18], $0x50;
	(pc) =	sbr.rel @p3 .LBB2_6-.Ltmp2, $4  }
0xbe: {  	[sflag:s18] =	ssyncset.done $0x0  }
0xbf: {  	s25 =	sadd.s32 s31, s21;
	[sflag:s18] =	ssyncadd.s32 $0xFFFFFFB0  }
0xc0: {  	[tilespmem:s10], [sflag:$0x8] =	stream.linear.gather [hbm4b:s25+s5], $0x50, $0x38;
	[tilespmem:$0x1BBF8] =	vst v63  }
0xc1: {  	s24 =	sadd.s32 $0xA0, s24  }
0xc2: {  	[tilespmem:s11], [sflag:$0x2] =	stream.indirect.gather [hbm4b:s1+s4], $0x80, s20, s4, $0xb8;
	[tilespmem:$0x1BBF8] =	vst v63  }
0xc3: {  	_ =	swait.ge [sflag:s12], $0x2800  }
0xc4: {  	[sflag:s12] =	ssyncset.done $0x0  }
0xc5: {  	[sflag:s12] =	ssyncadd.s32 $0xFFFFD800  }
0xc6: {  	_ =	swait.ge [sflag:s13], $0x50  }
0xc7: {  	[sflag:s13] =	ssyncset.done $0x0  }
0xc8: {  	[sflag:s13] =	ssyncadd.s32 $0xFFFFFFB0  }
0xc9: {  	[spmem:s2] =	stream.indirect.scatter.add.f32 [tilespmem:s11], [sflag:$0x4], $0x80, s10, s4, $0xb8;
	[tilespmem:$0x1BBF8] =	vst v63  }
0xca: {  	_ = 	snop  }
0xcb: {  	[spmem:s3] =	stream.indirect.scatter.add.f32 [tilespmem:s9], [sflag:$0x6], $0x1, s10, s4, $0xb8;
	[tilespmem:$0x1BBF8] =	vst v63  }
0xcc: {  	_ =	swait.ge [sflag:s14], $0x2800  }
0xcd: {  	[sflag:s14] =	ssyncset.done $0x0  }
0xce: {  	[sflag:s14] =	ssyncadd.s32 $0xFFFFD800  }
0xcf: {  	_ =	swait.ge [sflag:s16], $0x50  }
0xd0: {  	[sflag:s16] =	ssyncset.done $0x0  }
0xd1: {  	[sflag:s16] =	ssyncadd.s32 $0xFFFFFFB0  }
0xd2: {  	[tilespmem:s0], [sflag:$0x7] =	stream.linear.gather [hbm4b:s28+s5], $0x50, $0x38;
	[tilespmem:$0x1BBF8] =	vst v63  }
0xd3: {  	s25 =	simm.s32 $0x161B8  }
0xd4: {  	[tilespmem:s29], [sflag:$0x1] =	stream.indirect.gather [hbm4b:s1+s4], $0x80, s25, s4, $0xb8;
	[tilespmem:$0x1BBF8] =	vst v63  }
0xd5: {  	_ =	swait.ge [sflag:s7], $0x2800  }
0xd6: {  	[sflag:s7] =	ssyncset.done $0x0  }
0xd7: {  	[sflag:s7] =	ssyncadd.s32 $0xFFFFD800  }
0xd8: {  	_ =	swait.ge [sflag:s8], $0x50  }
0xd9: {  	[sflag:s8] =	ssyncset.done $0x0  }
0xda: {  	[sflag:s8] =	ssyncadd.s32 $0xFFFFFFB0  }
0xdb: {  	[spmem:s2] =	stream.indirect.scatter.add.f32 [tilespmem:s29], [sflag:$0x3], $0x80, s0, s4, $0xb8;
	[tilespmem:$0x1BBF8] =	vst v63  }
0xdc: {  	_ = 	snop  }
0xdd: {  	[spmem:s3] =	stream.indirect.scatter.add.f32 [tilespmem:s9], [sflag:$0x5], $0x1, s0, s4, $0xb8;
	[tilespmem:$0x1BBF8] =	vst v63  }
0xde: {  	_ =	swait.ge [sflag:s17], $0x2800  }
0xdf: {  	[sflag:s17] =	ssyncset.done $0x0  }
0xe0: {  	[sflag:s17] =	ssyncadd.s32 $0xFFFFD800  }
0xe1: {  	_ =	swait.ge [sflag:s18], $0x50  }
0xe2: {  	[sflag:s18] =	ssyncset.done $0x0  }
0xe3: {  	[sflag:s18] =	ssyncadd.s32 $0xFFFFFFB0  }
0xe4: {  	_ =	swait.ge [sflag:s14], $0x2800  }
0xe5: {  	[sflag:s14] =	ssyncset.done $0x0  }
0xe6: {  	[sflag:s14] =	ssyncadd.s32 $0xFFFFD800  }
0xe7: {  	_ =	swait.ge [sflag:s16], $0x50  }
0xe8: {  	[sflag:s16] =	ssyncset.done $0x0  }
0xe9: {  	[sflag:s16] =	ssyncadd.s32 $0xFFFFFFB0  }
0xea: {  	s20 =	stileid.u32;
	[bflag:$0x0] =	sbarrier.arrive $0xFFFF  }
0xeb: {  	s20 =	sshll.u32 @p0 s20, $0x6;
	s23 =	rddreg [dreg:$0x10]  }
0xec: {  	s20 =	sor.u32 @p0 $0x1C09, s20;
	s24 =	rddreg [dreg:$0x14]  }
0xed: {  	[hbm:s23], [sflag:s20] =	dma.local @p0 [spmem:s24], $0x2780  }
0xee: {  	s20 =	simm.s32 @p0 $0x9  }
0xef: {  	_ =	swait.ge @p0 [sflag:s20], $0x2780  }
0xf0: {  	[sflag:s20] =	ssyncset.done @p0 $0x0  }
0xf1: {  	s23 =	rddreg [dreg:$0x11];
	[sflag:s20] =	ssyncadd.s32 @p0 $0xFFFFD880;
	s20 =	simm.s32 @!p2 $0x1B3F8  }
0xf2: {  	[tilespmem:s20], [sflag:$0x9] =	stream.linear.gather @!p2 [spmem:s23], $0x7D0, $0x38;
	[tilespmem:$0x1BBF8] =	vst v63  }
0xf3: {  	s23 =	simm.s32 @!p2 $0x9  }
0xf4: {  	_ =	swait.ge @!p2 [sflag:s23], $0x7D0  }
0xf5: {  	[sflag:s23] =	ssyncset.done @!p2 $0x0  }
0xf6: {  	s24 =	simm.s32 @!p2 $0x0;
	s25 =	rddreg [dreg:$0xe];
	[sflag:s23] =	ssyncadd.s32 @!p2 $0xFFFFF830  }
0xf7: {  	[hbm4b:s25+s24] =	stream.linear.scatter @!p2 [tilespmem:s20], [sflag:$0x9], $0x7D0, $0x38;
	[tilespmem:$0x1BBF8] =	vst v63  }
0xf8: {  	_ =	swait.ge @!p2 [sflag:s23], $0x7D0  }
0xf9: {  	[sflag:s23] =	ssyncset.done @!p2 $0x0;
	s24 =	rddreg [dreg:$0x15]  }
0xfa: {  	s20 =	simm.s32 @!p0 $0x1FC9;
	[sflag:s23] =	ssyncadd.s32 @!p2 $0xFFFFF830;
	s23 =	rddreg [dreg:$0x12]  }
0xfb: {  	[hbm:s23], [sflag:s20] =	dma.local @!p0 [spmem:s24], $0x2080  }
0xfc: {  	s20 =	simm.s32 @!p0 $0x9  }
0xfd: {  	_ =	swait.ge @!p0 [sflag:s20], $0x2080  }
0xfe: {  	s19 =	sadd.s32 $0x1, s19;
	s31 =	rddreg [dreg:$0x13]  }
0xff: {  	p3 =	sne.s32 s19, s31  }
.Ltmp3:
0x100: {  	_ = 	snop;
	(pc) =	sbr.rel @p3 .LBB2_1-.Ltmp3, $3  }
0x101: {  	_ =	sdelay $0x1  }
0x102: {  	[sflag:s20] =	ssyncset.done @!p0 $0x0  }
0x103: {  	[sflag:s20] =	ssyncadd.s32 @!p0 $0xFFFFDF80  }
0x104: {  	_ =	sfence.sel $0x180000  }
0x105: {  	[bflag:$0x0] =	sbarrier.arrive $0xFFFF  }
0x106: {  	_ =	strace $0x90000047  }
0x107: {  	s0 =	stileid.u32;
	[bflag:$0x2] =	sbarrier.arrive $0xFFFF  }
0x108: {  	p0 =	sne.s32 s0, $0x0;
	s0 =	rddreg [dreg:$0x5]  }
0x109: {  	s0 =	sadd.s32 @!p0 $0x100000, s0  }
0x10a: {  	[sflag:s0] =	ssyncadd.tile.s32 @!p0 $0x1;
	_ =	shalt  }
.Lfunc_end2:
_tile_overlayer_lowered:
.L_overlay_start_2:
0x10b: {  	(tag) =	ssettag $0x2  }
0x10c: {  	s0 =	rddreg [dreg:$0x0];
	s2 =	stileid.u32  }
0x10d: {  	s1 =	rddreg [dreg:$0x1];
	p0 =	sne.s32 s2, $0x0  }
0x10e: {  	s3 =	rddreg [dreg:$0x2];
	[bflag:$0x3] =	sbarrier.arrive $0xFFFF;
	s2 =	simm.s32 @!p0 $0x1C09  }
0x10f: {  	[timem:s3], [sflag:s2] =	dma.local @!p0 [hbm:s0], s1  }
0x110: {  	s0 =	simm.s32 @!p0 $0x9  }
0x111: {  	_ =	swait.ge @!p0 [sflag:s0], s1  }
0x112: {  	s1 =	ssub.s32 @!p0 $0x0, s1;
	[sflag:s0] =	ssyncset.done @!p0 $0x0  }
0x113: {  	[sflag:s0] =	ssyncadd.s32 @!p0 s1  }
0x114: {  	[bflag:$0x3] =	sbarrier.arrive $0xFFFF  }
0x115: {  	_ =	shalt  }

</sc_bundles>
